<compile_context>
chip_gen: v7x
topology: tpu7x:2x2x1
jax: 0.10.2.dev20260603
libtpu: 0.0.44.dev20260713+nightly
codegen_flags: <defaults>
</compile_context>

<pallas_src>
import jax
import jax.numpy as jnp
from jax import lax
from jax.experimental import pallas as pl
from jax.experimental.pallas import tpu as pltpu
from jax.experimental.pallas import tpu_sc as plsc

N_FIELDS = 26
VOCAB = 100000
BATCH = 16384
DIMS = 32

NC = 2
NS = 16
LANES = 16
NW = NC * NS
B_PER_W = BATCH // NW
WIN = 128
NWIN = B_PER_W // WIN
NWINDOWS = N_FIELDS * NWIN
NBUF = 2

PACK = 4
TP_VCH = 4096
TP_Q = TP_VCH // PACK
TP_GRID = -(-VOCAB // TP_VCH)
PROWS = TP_GRID * TP_Q
Q_SH = TP_Q.bit_length() - 1
CH_SH = TP_VCH.bit_length() - 1


def _tc_pack_body(in_ref, out_ref):
    x = in_ref[0]
    eye = jnp.eye(DIMS, dtype=jnp.float32)
    y = lax.dot_general(x, eye, (((0,), (0,)), ((), ())),
                        precision=lax.Precision.HIGHEST,
                        preferred_element_type=jnp.float32)
    y = y * (1.0 / N_FIELDS)
    out_ref[0] = jnp.concatenate(
        [y[q * TP_Q:(q + 1) * TP_Q, :] for q in range(PACK)], axis=1)


def _sc_body(tab_hbm, g_hbm, sub_hbm, out_hbm,
             g_v, sub_v, b0, b1, acc_v, s0, s1):
    bufs = (b0, b1)
    sems = (s0, s1)
    wid = lax.axis_index("s") * NC + lax.axis_index("c")

    pltpu.sync_copy(g_hbm.at[:, pl.ds(wid * NWIN, NWIN), :], g_v)
    pltpu.sync_copy(sub_hbm.at[:, pl.ds(wid * NWIN, NWIN), :], sub_v)

    zero = jnp.zeros((LANES,), jnp.float32)

    @pl.loop(0, B_PER_W)
    def _(r):
        acc_v[r, pl.ds(0, LANES)] = zero
        acc_v[r, pl.ds(LANES, LANES)] = zero

    for b in range(NBUF):
        pltpu.async_copy(tab_hbm.at[b // NWIN].at[g_v.at[b // NWIN, b % NWIN]],
                         bufs[b], sems[b])

    @pl.loop(0, NWINDOWS, step=NBUF)
    def _(i):
        for b in range(NBUF):
            buf, sem = bufs[b], sems[b]
            k = i + b
            f = k // NWIN
            h = k % NWIN
            pltpu.make_async_copy(tab_hbm.at[f].at[g_v.at[f, h]],
                                  buf, sem).wait()

            base = h * WIN

            @pl.loop(0, WIN, step=LANES)
            def _(r0, buf=buf, base=base, f=f, h=h):
                subvec = sub_v[f, h, pl.ds(r0, LANES)]
                for i in range(LANES):
                    sub = subvec[i]
                    plsc.addupdate(acc_v.at[base + r0 + i, pl.ds(0, LANES)],
                                   buf[r0 + i, pl.ds(sub, LANES)])
                    plsc.addupdate(
                        acc_v.at[base + r0 + i, pl.ds(LANES, LANES)],
                        buf[r0 + i, pl.ds(sub + LANES, LANES)])

            kn = k + NBUF

            @pl.when(kn < NWINDOWS)
            def _(buf=buf, sem=sem, kn=kn):
                fn = kn // NWIN
                hn = kn % NWIN
                pltpu.async_copy(tab_hbm.at[fn].at[g_v.at[fn, hn]], buf, sem)

    pltpu.sync_copy(acc_v, out_hbm.at[pl.ds(wid * B_PER_W, B_PER_W)])


@jax.jit
def _embedded_features(tables_t, cats):
    packed = pl.pallas_call(
        _tc_pack_body,
        out_shape=jax.ShapeDtypeStruct((N_FIELDS, PROWS, PACK * DIMS),
                                       jnp.float32),
        grid=(N_FIELDS, TP_GRID),
        in_specs=[pl.BlockSpec((1, DIMS, TP_VCH), lambda f, c: (f, 0, c))],
        out_specs=pl.BlockSpec((1, TP_Q, PACK * DIMS),
                               lambda f, c: (f, c, 0)),
    )(tables_t)

    g = (((cats >> CH_SH) << Q_SH) + (cats & (TP_Q - 1))).reshape(
        N_FIELDS, NW * NWIN, WIN)
    sub = (((cats >> Q_SH) & (PACK - 1)) << 5).reshape(N_FIELDS, NW * NWIN, WIN)

    mesh = plsc.VectorSubcoreMesh(core_axis_name="c", subcore_axis_name="s")
    k = pl.kernel(
        _sc_body,
        out_type=jax.ShapeDtypeStruct((BATCH, DIMS), jnp.float32),
        mesh=mesh,
        scratch_types=[
            pltpu.VMEM((N_FIELDS, NWIN, WIN), jnp.int32),
            pltpu.VMEM((N_FIELDS, NWIN, WIN), jnp.int32),
            pltpu.VMEM((WIN, PACK * DIMS), jnp.float32),
            pltpu.VMEM((WIN, PACK * DIMS), jnp.float32),
            pltpu.VMEM((B_PER_W, DIMS), jnp.float32),
            pltpu.SemaphoreType.DMA,
            pltpu.SemaphoreType.DMA,
        ],
        compiler_params=pltpu.CompilerParams(use_tc_tiling_on_sc=True),
    )
    return k(packed, g, sub)


def kernel(cats, tables):
    tables_t = jnp.transpose(tables, (0, 2, 1))
    return _embedded_features(tables_t, cats)

# --- scband reference (transcript-rebuilt; emitter-appended) ---
"""Pipeline reference for scband-embedded-features-67113158967604 (READ-ONLY COPY).

The authoritative reference and input builder live on the scoring server;
editing this copy changes nothing except your own understanding.
"""

import jax, jax.numpy as jnp
import numpy as np

N_FIELDS = 26
VOCAB = 100000
BATCH = 16384
DIMS = 32


def setup_inputs(seed: int = 0) -> dict:
    key = jax.random.key(seed)
    k_idx, k_tab = jax.random.split(key)
    # cats: one row of indices per categorical field; iterating the first axis
    # mirrors the tuple-of-tensors `cats` argument in the torch module.
    cats = jax.random.randint(k_idx, (N_FIELDS, BATCH), 0, VOCAB, dtype=jnp.int32)
    # Learned parameters: 26 embedding tables, each [VOCAB, DIMS], stacked.
    tables = jax.random.normal(k_tab, (N_FIELDS, VOCAB, DIMS), dtype=jnp.float32) * 0.01
    return {"cats": cats, "tables": tables}


def reference(cats, tables):
    # For each field f: tables[f][cats[f]]  -> [BATCH, DIMS]
    # Sum over fields, then divide by number of fields (mean), exactly as the
    # torch forward accumulates embs += e(c) then embs /= len(cats).
    gathered = jax.vmap(lambda tab, idx: jnp.take(tab, idx, axis=0))(tables, cats)
    embs = jnp.sum(gathered, axis=0) / N_FIELDS
    return embs

if __name__ == "__main__":
    import jax
    _d = setup_inputs()
    print(jax.jit(kernel)(*tuple(_d.values())))

</pallas_src>

<mosaic_0001>
#map = affine_map<(d0, d1) -> (0, 0, 0)>
#map1 = affine_map<(d0, d1) -> (0, 0)>
module attributes {stable_mosaic.version = 14 : i64} {
  func.func @_sc_body(%arg0: i32, %arg1: i32, %arg2: memref<26x25600x128xf32, #tpu.memory_space<hbm>>, %arg3: memref<26x128x128xi32, #tpu.memory_space<hbm>>, %arg4: memref<26x128x128xi32, #tpu.memory_space<hbm>>, %arg5: memref<16384x32xf32, #tpu.memory_space<hbm>>, %arg6: memref<26x4x128xi32, #tpu.memory_space<vmem>>, %arg7: memref<26x4x128xi32, #tpu.memory_space<vmem>>, %arg8: memref<128x128xf32, #tpu.memory_space<vmem>>, %arg9: memref<128x128xf32, #tpu.memory_space<vmem>>, %arg10: memref<512x32xf32, #tpu.memory_space<vmem>>, %arg11: memref<!tpu.dma_semaphore, #tpu.memory_space<semaphore_mem>>, %arg12: memref<!tpu.dma_semaphore, #tpu.memory_space<semaphore_mem>>) attributes {dimension_semantics = [#tpu.dimension_semantics<core_parallel>, #tpu.dimension_semantics<subcore_parallel>], iteration_bounds = array<i64: 2, 16>, scalar_prefetch = 0 : i64, scratch_operands = 7 : i64, tpu.core_type = #tpu.core_type<sc_vector_subcore>, window_params = [{transform_indices = #map}, {transform_indices = #map}, {transform_indices = #map}, {transform_indices = #map1}]} {
    %mul3A = arith.constant 2 : i32
    %mul3A_0 = arith.muli %arg1, %mul3A : i32
    %add3A = arith.addi %mul3A_0, %arg0 : i32
    %mul3A_1 = arith.constant 4 : i32
    %mul3A_2 = arith.muli %add3A, %mul3A_1 : i32
    "tpu.region"() ({
      %run_scoped3A = tpu.sem_alloc : memref<!tpu.dma_semaphore, #tpu.memory_space<semaphore_mem>>
      %dma_start3A_42 = arith.constant 0 : i32
      %dma_start3A_43 = arith.constant 0 : i32
      %dma_start3A_44 = tpu.memref_slice %arg3[%dma_start3A_42, %mul3A_2, %dma_start3A_43] : memref<26x128x128xi32, #tpu.memory_space<hbm>> -> memref<26x4x128xi32, #tpu.memory_space<hbm>>
      %dma_start3A_45 = arith.constant 0 : i32
      %dma_start3A_46 = arith.constant 0 : i32
      %dma_start3A_47 = tpu.memref_slice %arg3[%dma_start3A_45, %mul3A_2, %dma_start3A_46] : memref<26x128x128xi32, #tpu.memory_space<hbm>> -> memref<26x4x128xi32, #tpu.memory_space<hbm>>
      tpu.enqueue_dma source(%dma_start3A_47 : memref<26x4x128xi32, #tpu.memory_space<hbm>>) target(%arg6 : memref<26x4x128xi32, #tpu.memory_space<vmem>>) target_semaphore(%run_scoped3A : memref<!tpu.dma_semaphore, #tpu.memory_space<semaphore_mem>>)
      %dma_wait3A = arith.constant 0 : i32
      %dma_wait3A_48 = arith.constant 0 : i32
      %dma_wait3A_49 = tpu.memref_slice %arg3[%dma_wait3A, %mul3A_2, %dma_wait3A_48] : memref<26x128x128xi32, #tpu.memory_space<hbm>> -> memref<26x4x128xi32, #tpu.memory_space<hbm>>
      %dma_wait3A_50 = arith.constant 0 : i32
      %dma_wait3A_51 = arith.constant 0 : i32
      %dma_wait3A_52 = tpu.memref_slice %arg3[%dma_wait3A_50, %mul3A_2, %dma_wait3A_51] : memref<26x128x128xi32, #tpu.memory_space<hbm>> -> memref<26x4x128xi32, #tpu.memory_space<hbm>>
      tpu.wait_dma2 semaphore(%run_scoped3A : memref<!tpu.dma_semaphore, #tpu.memory_space<semaphore_mem>>) src(%dma_wait3A_52 : memref<26x4x128xi32, #tpu.memory_space<hbm>>) dst(%arg6 : memref<26x4x128xi32, #tpu.memory_space<vmem>>)
      tpu.yield
    }) : () -> ()
    %mul3A_3 = arith.constant 4 : i32
    %mul3A_4 = arith.muli %add3A, %mul3A_3 : i32
    "tpu.region"() ({
      %run_scoped3A = tpu.sem_alloc : memref<!tpu.dma_semaphore, #tpu.memory_space<semaphore_mem>>
      %dma_start3A_42 = arith.constant 0 : i32
      %dma_start3A_43 = arith.constant 0 : i32
      %dma_start3A_44 = tpu.memref_slice %arg4[%dma_start3A_42, %mul3A_4, %dma_start3A_43] : memref<26x128x128xi32, #tpu.memory_space<hbm>> -> memref<26x4x128xi32, #tpu.memory_space<hbm>>
      %dma_start3A_45 = arith.constant 0 : i32
      %dma_start3A_46 = arith.constant 0 : i32
      %dma_start3A_47 = tpu.memref_slice %arg4[%dma_start3A_45, %mul3A_4, %dma_start3A_46] : memref<26x128x128xi32, #tpu.memory_space<hbm>> -> memref<26x4x128xi32, #tpu.memory_space<hbm>>
      tpu.enqueue_dma source(%dma_start3A_47 : memref<26x4x128xi32, #tpu.memory_space<hbm>>) target(%arg7 : memref<26x4x128xi32, #tpu.memory_space<vmem>>) target_semaphore(%run_scoped3A : memref<!tpu.dma_semaphore, #tpu.memory_space<semaphore_mem>>)
      %dma_wait3A = arith.constant 0 : i32
      %dma_wait3A_48 = arith.constant 0 : i32
      %dma_wait3A_49 = tpu.memref_slice %arg4[%dma_wait3A, %mul3A_4, %dma_wait3A_48] : memref<26x128x128xi32, #tpu.memory_space<hbm>> -> memref<26x4x128xi32, #tpu.memory_space<hbm>>
      %dma_wait3A_50 = arith.constant 0 : i32
      %dma_wait3A_51 = arith.constant 0 : i32
      %dma_wait3A_52 = tpu.memref_slice %arg4[%dma_wait3A_50, %mul3A_4, %dma_wait3A_51] : memref<26x128x128xi32, #tpu.memory_space<hbm>> -> memref<26x4x128xi32, #tpu.memory_space<hbm>>
      tpu.wait_dma2 semaphore(%run_scoped3A : memref<!tpu.dma_semaphore, #tpu.memory_space<semaphore_mem>>) src(%dma_wait3A_52 : memref<26x4x128xi32, #tpu.memory_space<hbm>>) dst(%arg7 : memref<26x4x128xi32, #tpu.memory_space<vmem>>)
      tpu.yield
    }) : () -> ()
    %broadcast_in_dim3A = arith.constant 0.000000e+00 : f32
    %broadcast_in_dim3A_5 = vector.broadcast %broadcast_in_dim3A : f32 to vector<16xf32>
    %scan3A = arith.constant 0 : i32
    %scan3A_6 = arith.constant 512 : i32
    %scan3A_7 = arith.addi %scan3A, %scan3A_6 : i32
    %scan3A_8 = arith.constant 1 : i32
    scf.for %scan3A_42 = %scan3A to %scan3A_7 step %scan3A_8  : i32 {
      %mul3A_43 = arith.constant 1 : i32
      %mul3A_44 = arith.muli %scan3A_42, %mul3A_43 : i32
      %add3A_45 = arith.constant 0 : i32
      %add3A_46 = arith.addi %add3A_45, %mul3A_44 : i32
      %swap3A = arith.index_cast %add3A_46 : i32 to index
      %swap3A_47 = arith.constant 0 : index
      %swap3A_48 = tpu.vector_load %arg10[%swap3A, %swap3A_47] {strides = array<i32>} : memref<512x32xf32, #tpu.memory_space<vmem>>, vector<1x16xf32>,
      %swap3A_49 = vector.shape_cast %swap3A_48 : vector<1x16xf32> to vector<16xf32>
      %swap3A_50 = vector.shape_cast %broadcast_in_dim3A_5 : vector<16xf32> to vector<1x16xf32>
      tpu.vector_store %arg10[%swap3A, %swap3A_47], %swap3A_50 {strides = array<i32>} : memref<512x32xf32, #tpu.memory_space<vmem>>, vector<1x16xf32>,
      %swap3A_51 = arith.index_cast %add3A_46 : i32 to index
      %swap3A_52 = arith.constant 16 : index
      %swap3A_53 = tpu.vector_load %arg10[%swap3A_51, %swap3A_52] {strides = array<i32>} : memref<512x32xf32, #tpu.memory_space<vmem>>, vector<1x16xf32>,
      %swap3A_54 = vector.shape_cast %swap3A_53 : vector<1x16xf32> to vector<16xf32>
      %swap3A_55 = vector.shape_cast %broadcast_in_dim3A_5 : vector<16xf32> to vector<1x16xf32>
      tpu.vector_store %arg10[%swap3A_51, %swap3A_52], %swap3A_55 {strides = array<i32>} : memref<512x32xf32, #tpu.memory_space<vmem>>, vector<1x16xf32>,
    }
    %scan3A_9 = arith.constant 512 : i32
    %dma_start3A = arith.constant 0 : i32
    %dma_start3A_10 = arith.constant 0 : i32
    %dma_start3A_11 = arith.constant 0 : i32
    %dma_start3A_12 = arith.constant 0 : i32
    %dma_start3A_13 = tpu.memref_slice %arg6[%dma_start3A_10, %dma_start3A_11, %dma_start3A_12] : memref<26x4x128xi32, #tpu.memory_space<vmem>> -> memref<1x1x128xi32, #tpu.memory_space<vmem>>
    %dma_start3A_14 = tpu.memref_squeeze %dma_start3A_13 : memref<1x1x128xi32, #tpu.memory_space<vmem>> -> memref<128xi32, #tpu.memory_space<vmem>>
    %dma_start3A_15 = arith.constant 0 : i32
    %dma_start3A_16 = arith.constant 0 : i32
    %dma_start3A_17 = tpu.memref_slice %arg2[%dma_start3A, %dma_start3A_15, %dma_start3A_16] : memref<26x25600x128xf32, #tpu.memory_space<hbm>> -> memref<1x25600x128xf32, #tpu.memory_space<hbm>>
    %dma_start3A_18 = tpu.memref_squeeze %dma_start3A_17 : memref<1x25600x128xf32, #tpu.memory_space<hbm>> -> memref<25600x128xf32, #tpu.memory_space<hbm>>
    %dma_start3A_19 = arith.constant 0 : i32
    %dma_start3A_20 = arith.constant 0 : i32
    %dma_start3A_21 = tpu.memref_slice %dma_start3A_18[%dma_start3A_19, %dma_start3A_20] : memref<25600x128xf32, #tpu.memory_space<hbm>> -> memref<25600x128xf32, #tpu.memory_space<hbm>>
    tpu.enqueue_indirect_dma source(%dma_start3A_21 : memref<25600x128xf32, #tpu.memory_space<hbm>>) target(%arg8 : memref<128x128xf32, #tpu.memory_space<vmem>>) offsets(%dma_start3A_14 : memref<128xi32, #tpu.memory_space<vmem>>) semaphore(%arg11 : memref<!tpu.dma_semaphore, #tpu.memory_space<semaphore_mem>>)
    %dma_start3A_22 = arith.constant 0 : i32
    %dma_start3A_23 = arith.constant 0 : i32
    %dma_start3A_24 = arith.constant 1 : i32
    %dma_start3A_25 = arith.constant 0 : i32
    %dma_start3A_26 = tpu.memref_slice %arg6[%dma_start3A_23, %dma_start3A_24, %dma_start3A_25] : memref<26x4x128xi32, #tpu.memory_space<vmem>> -> memref<1x1x128xi32, #tpu.memory_space<vmem>>
    %dma_start3A_27 = tpu.memref_squeeze %dma_start3A_26 : memref<1x1x128xi32, #tpu.memory_space<vmem>> -> memref<128xi32, #tpu.memory_space<vmem>>
    %dma_start3A_28 = arith.constant 0 : i32
    %dma_start3A_29 = arith.constant 0 : i32
    %dma_start3A_30 = tpu.memref_slice %arg2[%dma_start3A_22, %dma_start3A_28, %dma_start3A_29] : memref<26x25600x128xf32, #tpu.memory_space<hbm>> -> memref<1x25600x128xf32, #tpu.memory_space<hbm>>
    %dma_start3A_31 = tpu.memref_squeeze %dma_start3A_30 : memref<1x25600x128xf32, #tpu.memory_space<hbm>> -> memref<25600x128xf32, #tpu.memory_space<hbm>>
    %dma_start3A_32 = arith.constant 0 : i32
    %dma_start3A_33 = arith.constant 0 : i32
    %dma_start3A_34 = tpu.memref_slice %dma_start3A_31[%dma_start3A_32, %dma_start3A_33] : memref<25600x128xf32, #tpu.memory_space<hbm>> -> memref<25600x128xf32, #tpu.memory_space<hbm>>
    tpu.enqueue_indirect_dma source(%dma_start3A_34 : memref<25600x128xf32, #tpu.memory_space<hbm>>) target(%arg9 : memref<128x128xf32, #tpu.memory_space<vmem>>) offsets(%dma_start3A_27 : memref<128xi32, #tpu.memory_space<vmem>>) semaphore(%arg12 : memref<!tpu.dma_semaphore, #tpu.memory_space<semaphore_mem>>)
    %scan3A_35 = arith.constant 0 : i32
    %scan3A_36 = arith.constant 52 : i32
    %scan3A_37 = arith.addi %scan3A_35, %scan3A_36 : i32
    %scan3A_38 = arith.constant 1 : i32
    scf.for %scan3A_42 = %scan3A_35 to %scan3A_37 step %scan3A_38  : i32 {
      %mul3A_43 = arith.constant 2 : i32
      %mul3A_44 = arith.muli %scan3A_42, %mul3A_43 : i32
      %add3A_45 = arith.constant 0 : i32
      %add3A_46 = arith.addi %add3A_45, %mul3A_44 : i32
      %add3A_47 = arith.constant 0 : i32
      %add3A_48 = arith.addi %add3A_46, %add3A_47 : i32
      %jit3A = arith.constant 4 : i32
      %div3A = arith.divsi %add3A_48, %jit3A : i32
      %sign3A = arith.constant 0 : i32
      %sign3A_49 = arith.cmpi sgt, %add3A_48, %sign3A : i32
      %sign3A_50 = arith.extui %sign3A_49 : i1 to i32
      %sign3A_51 = arith.constant 0 : i32
      %sign3A_52 = arith.cmpi slt, %add3A_48, %sign3A_51 : i32
      %sign3A_53 = arith.extui %sign3A_52 : i1 to i32
      %sign3A_54 = arith.subi %sign3A_50, %sign3A_53 : i32
      %sign3A_55 = arith.constant 0 : i32
      %sign3A_56 = arith.cmpi sgt, %jit3A, %sign3A_55 : i32
      %sign3A_57 = arith.extui %sign3A_56 : i1 to i32
      %sign3A_58 = arith.constant 0 : i32
      %sign3A_59 = arith.cmpi slt, %jit3A, %sign3A_58 : i32
      %sign3A_60 = arith.extui %sign3A_59 : i1 to i32
      %sign3A_61 = arith.subi %sign3A_57, %sign3A_60 : i32
      %ne3A = arith.cmpi ne, %sign3A_54, %sign3A_61 : i32
      %rem3A = arith.remsi %add3A_48, %jit3A : i32
      %ne3A_62 = arith.constant 0 : i32
      %ne3A_63 = arith.cmpi ne, %rem3A, %ne3A_62 : i32
      %and3A = arith.andi %ne3A, %ne3A_63 : i1
      %sub3A = arith.constant 1 : i32
      %sub3A_64 = arith.subi %div3A, %sub3A : i32
      %select_n3A = arith.select %and3A, %sub3A_64, %div3A : i32
      %jit3A_65 = arith.constant 4 : i32
      %eq3A = arith.constant 0 : i32
      %eq3A_66 = arith.cmpi eq, %jit3A_65, %eq3A : i32
      %jit3A_67 = arith.constant 1 : i32
      %select_n3A_68 = arith.select %eq3A_66, %jit3A_67, %jit3A_65 : i32
      %rem3A_69 = arith.remsi %add3A_48, %select_n3A_68 : i32
      %ne3A_70 = arith.constant 0 : i32
      %ne3A_71 = arith.cmpi ne, %rem3A_69, %ne3A_70 : i32
      %lt3A = arith.constant 0 : i32
      %lt3A_72 = arith.cmpi slt, %rem3A_69, %lt3A : i32
      %lt3A_73 = arith.constant 0 : i32
      %lt3A_74 = arith.cmpi slt, %select_n3A_68, %lt3A_73 : i32
      %ne3A_75 = arith.xori %lt3A_72, %lt3A_74 : i1
      %and3A_76 = arith.andi %ne3A_75, %ne3A_71 : i1
      %add3A_77 = arith.addi %rem3A_69, %select_n3A_68 : i32
      %select_n3A_78 = arith.select %and3A_76, %add3A_77, %rem3A_69 : i32
      %dma_wait3A = arith.constant 0 : i32
      %dma_wait3A_79 = tpu.memref_slice %arg6[%select_n3A, %select_n3A_78, %dma_wait3A] : memref<26x4x128xi32, #tpu.memory_space<vmem>> -> memref<1x1x128xi32, #tpu.memory_space<vmem>>
      %dma_wait3A_80 = tpu.memref_squeeze %dma_wait3A_79 : memref<1x1x128xi32, #tpu.memory_space<vmem>> -> memref<128xi32, #tpu.memory_space<vmem>>
      %dma_wait3A_81 = arith.constant 0 : i32
      %dma_wait3A_82 = arith.constant 0 : i32
      %dma_wait3A_83 = tpu.memref_slice %arg2[%select_n3A, %dma_wait3A_81, %dma_wait3A_82] : memref<26x25600x128xf32, #tpu.memory_space<hbm>> -> memref<1x25600x128xf32, #tpu.memory_space<hbm>>
      %dma_wait3A_84 = tpu.memref_squeeze %dma_wait3A_83 : memref<1x25600x128xf32, #tpu.memory_space<hbm>> -> memref<25600x128xf32, #tpu.memory_space<hbm>>
      %dma_wait3A_85 = arith.constant 0 : i32
      %dma_wait3A_86 = arith.constant 0 : i32
      %dma_wait3A_87 = tpu.memref_slice %dma_wait3A_84[%dma_wait3A_85, %dma_wait3A_86] : memref<25600x128xf32, #tpu.memory_space<hbm>> -> memref<25600x128xf32, #tpu.memory_space<hbm>>
      tpu.wait_indirect_dma semaphore(%arg11 : memref<!tpu.dma_semaphore, #tpu.memory_space<semaphore_mem>>) src(%dma_wait3A_87 : memref<25600x128xf32, #tpu.memory_space<hbm>>) dst(%arg8 : memref<128x128xf32, #tpu.memory_space<vmem>>)
      %mul3A_88 = arith.constant 128 : i32
      %mul3A_89 = arith.muli %select_n3A_78, %mul3A_88 : i32
      %scan3A_90 = arith.constant 0 : i32
      %scan3A_91 = arith.constant 8 : i32
      %scan3A_92 = arith.addi %scan3A_90, %scan3A_91 : i32
      %scan3A_93 = arith.constant 1 : i32
      scf.for %scan3A_166 = %scan3A_90 to %scan3A_92 step %scan3A_93  : i32 {
        %mul3A_167 = arith.constant 16 : i32
        %mul3A_168 = arith.muli %scan3A_166, %mul3A_167 : i32
        %add3A_169 = arith.constant 0 : i32
        %add3A_170 = arith.addi %add3A_169, %mul3A_168 : i32
        %get3A = arith.index_cast %select_n3A : i32 to index
        %get3A_171 = arith.index_cast %select_n3A_78 : i32 to index
        %get3A_172 = arith.index_cast %add3A_170 : i32 to index
        %get3A_173 = tpu.vector_load %arg7[%get3A, %get3A_171, %get3A_172] {strides = array<i32>} : memref<26x4x128xi32, #tpu.memory_space<vmem>>, vector<1x1x16xi32>,
        %get3A_174 = vector.shape_cast %get3A_173 : vector<1x1x16xi32> to vector<16xi32>
        %slice3A = vector.extract_strided_slice %get3A_174 {offsets = [0], sizes = [1], strides = [1]} : vector<16xi32> to vector<1xi32>
        %squeeze3A = vector.extract %slice3A[0] : i32 from vector<1xi32>
        %add3A_175 = arith.addi %mul3A_89, %add3A_170 : i32
        %add3A_176 = arith.constant 0 : i32
        %add3A_177 = arith.addi %add3A_175, %add3A_176 : i32
        %add3A_178 = arith.constant 0 : i32
        %add3A_179 = arith.addi %add3A_170, %add3A_178 : i32
        %get3A_180 = arith.index_cast %add3A_179 : i32 to index
        %get3A_181 = arith.index_cast %squeeze3A : i32 to index
        %get3A_182 = tpu.vector_load %arg8[%get3A_180, %get3A_181] {strides = array<i32>} : memref<128x128xf32, #tpu.memory_space<vmem>>, vector<1x16xf32>,
        %get3A_183 = vector.shape_cast %get3A_182 : vector<1x16xf32> to vector<16xf32>
        %swap3A = arith.index_cast %add3A_177 : i32 to index
        %swap3A_184 = arith.constant 0 : index
        %swap3A_185 = tpu.vector_load %arg10[%swap3A, %swap3A_184] {strides = array<i32>} : memref<512x32xf32, #tpu.memory_space<vmem>>, vector<1x16xf32>,
        %swap3A_186 = vector.shape_cast %swap3A_185 : vector<1x16xf32> to vector<16xf32>
        %swap3A_187 = vector.shape_cast %get3A_183 : vector<16xf32> to vector<1x16xf32>
        tpu.vector_store %arg10[%swap3A, %swap3A_184], %swap3A_187 {add = true, strides = array<i32>} : memref<512x32xf32, #tpu.memory_space<vmem>>, vector<1x16xf32>,
        %add3A_188 = arith.addi %mul3A_89, %add3A_170 : i32
        %add3A_189 = arith.constant 0 : i32
        %add3A_190 = arith.addi %add3A_188, %add3A_189 : i32
        %add3A_191 = arith.constant 0 : i32
        %add3A_192 = arith.addi %add3A_170, %add3A_191 : i32
        %add3A_193 = arith.constant 16 : i32
        %add3A_194 = arith.addi %squeeze3A, %add3A_193 : i32
        %get3A_195 = arith.index_cast %add3A_192 : i32 to index
        %get3A_196 = arith.index_cast %add3A_194 : i32 to index
        %get3A_197 = tpu.vector_load %arg8[%get3A_195, %get3A_196] {strides = array<i32>} : memref<128x128xf32, #tpu.memory_space<vmem>>, vector<1x16xf32>,
        %get3A_198 = vector.shape_cast %get3A_197 : vector<1x16xf32> to vector<16xf32>
        %swap3A_199 = arith.index_cast %add3A_190 : i32 to index
        %swap3A_200 = arith.constant 16 : index
        %swap3A_201 = tpu.vector_load %arg10[%swap3A_199, %swap3A_200] {strides = array<i32>} : memref<512x32xf32, #tpu.memory_space<vmem>>, vector<1x16xf32>,
        %swap3A_202 = vector.shape_cast %swap3A_201 : vector<1x16xf32> to vector<16xf32>
        %swap3A_203 = vector.shape_cast %get3A_198 : vector<16xf32> to vector<1x16xf32>
        tpu.vector_store %arg10[%swap3A_199, %swap3A_200], %swap3A_203 {add = true, strides = array<i32>} : memref<512x32xf32, #tpu.memory_space<vmem>>, vector<1x16xf32>,
        %slice3A_204 = vector.extract_strided_slice %get3A_174 {offsets = [1], sizes = [1], strides = [1]} : vector<16xi32> to vector<1xi32>
        %squeeze3A_205 = vector.extract %slice3A_204[0] : i32 from vector<1xi32>
        %add3A_206 = arith.addi %mul3A_89, %add3A_170 : i32
        %add3A_207 = arith.constant 1 : i32
        %add3A_208 = arith.addi %add3A_206, %add3A_207 : i32
        %add3A_209 = arith.constant 1 : i32
        %add3A_210 = arith.addi %add3A_170, %add3A_209 : i32
        %get3A_211 = arith.index_cast %add3A_210 : i32 to index
        %get3A_212 = arith.index_cast %squeeze3A_205 : i32 to index
        %get3A_213 = tpu.vector_load %arg8[%get3A_211, %get3A_212] {strides = array<i32>} : memref<128x128xf32, #tpu.memory_space<vmem>>, vector<1x16xf32>,
        %get3A_214 = vector.shape_cast %get3A_213 : vector<1x16xf32> to vector<16xf32>
        %swap3A_215 = arith.index_cast %add3A_208 : i32 to index
        %swap3A_216 = arith.constant 0 : index
        %swap3A_217 = tpu.vector_load %arg10[%swap3A_215, %swap3A_216] {strides = array<i32>} : memref<512x32xf32, #tpu.memory_space<vmem>>, vector<1x16xf32>,
        %swap3A_218 = vector.shape_cast %swap3A_217 : vector<1x16xf32> to vector<16xf32>
        %swap3A_219 = vector.shape_cast %get3A_214 : vector<16xf32> to vector<1x16xf32>
        tpu.vector_store %arg10[%swap3A_215, %swap3A_216], %swap3A_219 {add = true, strides = array<i32>} : memref<512x32xf32, #tpu.memory_space<vmem>>, vector<1x16xf32>,
        %add3A_220 = arith.addi %mul3A_89, %add3A_170 : i32
        %add3A_221 = arith.constant 1 : i32
        %add3A_222 = arith.addi %add3A_220, %add3A_221 : i32
        %add3A_223 = arith.constant 1 : i32
        %add3A_224 = arith.addi %add3A_170, %add3A_223 : i32
        %add3A_225 = arith.constant 16 : i32
        %add3A_226 = arith.addi %squeeze3A_205, %add3A_225 : i32
        %get3A_227 = arith.index_cast %add3A_224 : i32 to index
        %get3A_228 = arith.index_cast %add3A_226 : i32 to index
        %get3A_229 = tpu.vector_load %arg8[%get3A_227, %get3A_228] {strides = array<i32>} : memref<128x128xf32, #tpu.memory_space<vmem>>, vector<1x16xf32>,
        %get3A_230 = vector.shape_cast %get3A_229 : vector<1x16xf32> to vector<16xf32>
        %swap3A_231 = arith.index_cast %add3A_222 : i32 to index
        %swap3A_232 = arith.constant 16 : index
        %swap3A_233 = tpu.vector_load %arg10[%swap3A_231, %swap3A_232] {strides = array<i32>} : memref<512x32xf32, #tpu.memory_space<vmem>>, vector<1x16xf32>,
        %swap3A_234 = vector.shape_cast %swap3A_233 : vector<1x16xf32> to vector<16xf32>
        %swap3A_235 = vector.shape_cast %get3A_230 : vector<16xf32> to vector<1x16xf32>
        tpu.vector_store %arg10[%swap3A_231, %swap3A_232], %swap3A_235 {add = true, strides = array<i32>} : memref<512x32xf32, #tpu.memory_space<vmem>>, vector<1x16xf32>,
        %slice3A_236 = vector.extract_strided_slice %get3A_174 {offsets = [2], sizes = [1], strides = [1]} : vector<16xi32> to vector<1xi32>
        %squeeze3A_237 = vector.extract %slice3A_236[0] : i32 from vector<1xi32>
        %add3A_238 = arith.addi %mul3A_89, %add3A_170 : i32
        %add3A_239 = arith.constant 2 : i32
        %add3A_240 = arith.addi %add3A_238, %add3A_239 : i32
        %add3A_241 = arith.constant 2 : i32
        %add3A_242 = arith.addi %add3A_170, %add3A_241 : i32
        %get3A_243 = arith.index_cast %add3A_242 : i32 to index
        %get3A_244 = arith.index_cast %squeeze3A_237 : i32 to index
        %get3A_245 = tpu.vector_load %arg8[%get3A_243, %get3A_244] {strides = array<i32>} : memref<128x128xf32, #tpu.memory_space<vmem>>, vector<1x16xf32>,
        %get3A_246 = vector.shape_cast %get3A_245 : vector<1x16xf32> to vector<16xf32>
        %swap3A_247 = arith.index_cast %add3A_240 : i32 to index
        %swap3A_248 = arith.constant 0 : index
        %swap3A_249 = tpu.vector_load %arg10[%swap3A_247, %swap3A_248] {strides = array<i32>} : memref<512x32xf32, #tpu.memory_space<vmem>>, vector<1x16xf32>,
        %swap3A_250 = vector.shape_cast %swap3A_249 : vector<1x16xf32> to vector<16xf32>
        %swap3A_251 = vector.shape_cast %get3A_246 : vector<16xf32> to vector<1x16xf32>
        tpu.vector_store %arg10[%swap3A_247, %swap3A_248], %swap3A_251 {add = true, strides = array<i32>} : memref<512x32xf32, #tpu.memory_space<vmem>>, vector<1x16xf32>,
        %add3A_252 = arith.addi %mul3A_89, %add3A_170 : i32
        %add3A_253 = arith.constant 2 : i32
        %add3A_254 = arith.addi %add3A_252, %add3A_253 : i32
        %add3A_255 = arith.constant 2 : i32
        %add3A_256 = arith.addi %add3A_170, %add3A_255 : i32
        %add3A_257 = arith.constant 16 : i32
        %add3A_258 = arith.addi %squeeze3A_237, %add3A_257 : i32
        %get3A_259 = arith.index_cast %add3A_256 : i32 to index
        %get3A_260 = arith.index_cast %add3A_258 : i32 to index
        %get3A_261 = tpu.vector_load %arg8[%get3A_259, %get3A_260] {strides = array<i32>} : memref<128x128xf32, #tpu.memory_space<vmem>>, vector<1x16xf32>,
        %get3A_262 = vector.shape_cast %get3A_261 : vector<1x16xf32> to vector<16xf32>
        %swap3A_263 = arith.index_cast %add3A_254 : i32 to index
        %swap3A_264 = arith.constant 16 : index
        %swap3A_265 = tpu.vector_load %arg10[%swap3A_263, %swap3A_264] {strides = array<i32>} : memref<512x32xf32, #tpu.memory_space<vmem>>, vector<1x16xf32>,
        %swap3A_266 = vector.shape_cast %swap3A_265 : vector<1x16xf32> to vector<16xf32>
        %swap3A_267 = vector.shape_cast %get3A_262 : vector<16xf32> to vector<1x16xf32>
        tpu.vector_store %arg10[%swap3A_263, %swap3A_264], %swap3A_267 {add = true, strides = array<i32>} : memref<512x32xf32, #tpu.memory_space<vmem>>, vector<1x16xf32>,
        %slice3A_268 = vector.extract_strided_slice %get3A_174 {offsets = [3], sizes = [1], strides = [1]} : vector<16xi32> to vector<1xi32>
        %squeeze3A_269 = vector.extract %slice3A_268[0] : i32 from vector<1xi32>
        %add3A_270 = arith.addi %mul3A_89, %add3A_170 : i32
        %add3A_271 = arith.constant 3 : i32
        %add3A_272 = arith.addi %add3A_270, %add3A_271 : i32
        %add3A_273 = arith.constant 3 : i32
        %add3A_274 = arith.addi %add3A_170, %add3A_273 : i32
        %get3A_275 = arith.index_cast %add3A_274 : i32 to index
        %get3A_276 = arith.index_cast %squeeze3A_269 : i32 to index
        %get3A_277 = tpu.vector_load %arg8[%get3A_275, %get3A_276] {strides = array<i32>} : memref<128x128xf32, #tpu.memory_space<vmem>>, vector<1x16xf32>,
        %get3A_278 = vector.shape_cast %get3A_277 : vector<1x16xf32> to vector<16xf32>
        %swap3A_279 = arith.index_cast %add3A_272 : i32 to index
        %swap3A_280 = arith.constant 0 : index
        %swap3A_281 = tpu.vector_load %arg10[%swap3A_279, %swap3A_280] {strides = array<i32>} : memref<512x32xf32, #tpu.memory_space<vmem>>, vector<1x16xf32>,
        %swap3A_282 = vector.shape_cast %swap3A_281 : vector<1x16xf32> to vector<16xf32>
        %swap3A_283 = vector.shape_cast %get3A_278 : vector<16xf32> to vector<1x16xf32>
        tpu.vector_store %arg10[%swap3A_279, %swap3A_280], %swap3A_283 {add = true, strides = array<i32>} : memref<512x32xf32, #tpu.memory_space<vmem>>, vector<1x16xf32>,
        %add3A_284 = arith.addi %mul3A_89, %add3A_170 : i32
        %add3A_285 = arith.constant 3 : i32
        %add3A_286 = arith.addi %add3A_284, %add3A_285 : i32
        %add3A_287 = arith.constant 3 : i32
        %add3A_288 = arith.addi %add3A_170, %add3A_287 : i32
        %add3A_289 = arith.constant 16 : i32
        %add3A_290 = arith.addi %squeeze3A_269, %add3A_289 : i32
        %get3A_291 = arith.index_cast %add3A_288 : i32 to index
        %get3A_292 = arith.index_cast %add3A_290 : i32 to index
        %get3A_293 = tpu.vector_load %arg8[%get3A_291, %get3A_292] {strides = array<i32>} : memref<128x128xf32, #tpu.memory_space<vmem>>, vector<1x16xf32>,
        %get3A_294 = vector.shape_cast %get3A_293 : vector<1x16xf32> to vector<16xf32>
        %swap3A_295 = arith.index_cast %add3A_286 : i32 to index
        %swap3A_296 = arith.constant 16 : index
        %swap3A_297 = tpu.vector_load %arg10[%swap3A_295, %swap3A_296] {strides = array<i32>} : memref<512x32xf32, #tpu.memory_space<vmem>>, vector<1x16xf32>,
        %swap3A_298 = vector.shape_cast %swap3A_297 : vector<1x16xf32> to vector<16xf32>
        %swap3A_299 = vector.shape_cast %get3A_294 : vector<16xf32> to vector<1x16xf32>
        tpu.vector_store %arg10[%swap3A_295, %swap3A_296], %swap3A_299 {add = true, strides = array<i32>} : memref<512x32xf32, #tpu.memory_space<vmem>>, vector<1x16xf32>,
        %slice3A_300 = vector.extract_strided_slice %get3A_174 {offsets = [4], sizes = [1], strides = [1]} : vector<16xi32> to vector<1xi32>
        %squeeze3A_301 = vector.extract %slice3A_300[0] : i32 from vector<1xi32>
        %add3A_302 = arith.addi %mul3A_89, %add3A_170 : i32
        %add3A_303 = arith.constant 4 : i32
        %add3A_304 = arith.addi %add3A_302, %add3A_303 : i32
        %add3A_305 = arith.constant 4 : i32
        %add3A_306 = arith.addi %add3A_170, %add3A_305 : i32
        %get3A_307 = arith.index_cast %add3A_306 : i32 to index
        %get3A_308 = arith.index_cast %squeeze3A_301 : i32 to index
        %get3A_309 = tpu.vector_load %arg8[%get3A_307, %get3A_308] {strides = array<i32>} : memref<128x128xf32, #tpu.memory_space<vmem>>, vector<1x16xf32>,
        %get3A_310 = vector.shape_cast %get3A_309 : vector<1x16xf32> to vector<16xf32>
        %swap3A_311 = arith.index_cast %add3A_304 : i32 to index
        %swap3A_312 = arith.constant 0 : index
        %swap3A_313 = tpu.vector_load %arg10[%swap3A_311, %swap3A_312] {strides = array<i32>} : memref<512x32xf32, #tpu.memory_space<vmem>>, vector<1x16xf32>,
        %swap3A_314 = vector.shape_cast %swap3A_313 : vector<1x16xf32> to vector<16xf32>
        %swap3A_315 = vector.shape_cast %get3A_310 : vector<16xf32> to vector<1x16xf32>
        tpu.vector_store %arg10[%swap3A_311, %swap3A_312], %swap3A_315 {add = true, strides = array<i32>} : memref<512x32xf32, #tpu.memory_space<vmem>>, vector<1x16xf32>,
        %add3A_316 = arith.addi %mul3A_89, %add3A_170 : i32
        %add3A_317 = arith.constant 4 : i32
        %add3A_318 = arith.addi %add3A_316, %add3A_317 : i32
        %add3A_319 = arith.constant 4 : i32
        %add3A_320 = arith.addi %add3A_170, %add3A_319 : i32
        %add3A_321 = arith.constant 16 : i32
        %add3A_322 = arith.addi %squeeze3A_301, %add3A_321 : i32
        %get3A_323 = arith.index_cast %add3A_320 : i32 to index
        %get3A_324 = arith.index_cast %add3A_322 : i32 to index
        %get3A_325 = tpu.vector_load %arg8[%get3A_323, %get3A_324] {strides = array<i32>} : memref<128x128xf32, #tpu.memory_space<vmem>>, vector<1x16xf32>,
        %get3A_326 = vector.shape_cast %get3A_325 : vector<1x16xf32> to vector<16xf32>
        %swap3A_327 = arith.index_cast %add3A_318 : i32 to index
        %swap3A_328 = arith.constant 16 : index
        %swap3A_329 = tpu.vector_load %arg10[%swap3A_327, %swap3A_328] {strides = array<i32>} : memref<512x32xf32, #tpu.memory_space<vmem>>, vector<1x16xf32>,
        %swap3A_330 = vector.shape_cast %swap3A_329 : vector<1x16xf32> to vector<16xf32>
        %swap3A_331 = vector.shape_cast %get3A_326 : vector<16xf32> to vector<1x16xf32>
        tpu.vector_store %arg10[%swap3A_327, %swap3A_328], %swap3A_331 {add = true, strides = array<i32>} : memref<512x32xf32, #tpu.memory_space<vmem>>, vector<1x16xf32>,
        %slice3A_332 = vector.extract_strided_slice %get3A_174 {offsets = [5], sizes = [1], strides = [1]} : vector<16xi32> to vector<1xi32>
        %squeeze3A_333 = vector.extract %slice3A_332[0] : i32 from vector<1xi32>
        %add3A_334 = arith.addi %mul3A_89, %add3A_170 : i32
        %add3A_335 = arith.constant 5 : i32
        %add3A_336 = arith.addi %add3A_334, %add3A_335 : i32
        %add3A_337 = arith.constant 5 : i32
        %add3A_338 = arith.addi %add3A_170, %add3A_337 : i32
        %get3A_339 = arith.index_cast %add3A_338 : i32 to index
        %get3A_340 = arith.index_cast %squeeze3A_333 : i32 to index
        %get3A_341 = tpu.vector_load %arg8[%get3A_339, %get3A_340] {strides = array<i32>} : memref<128x128xf32, #tpu.memory_space<vmem>>, vector<1x16xf32>,
        %get3A_342 = vector.shape_cast %get3A_341 : vector<1x16xf32> to vector<16xf32>
        %swap3A_343 = arith.index_cast %add3A_336 : i32 to index
        %swap3A_344 = arith.constant 0 : index
        %swap3A_345 = tpu.vector_load %arg10[%swap3A_343, %swap3A_344] {strides = array<i32>} : memref<512x32xf32, #tpu.memory_space<vmem>>, vector<1x16xf32>,
        %swap3A_346 = vector.shape_cast %swap3A_345 : vector<1x16xf32> to vector<16xf32>
        %swap3A_347 = vector.shape_cast %get3A_342 : vector<16xf32> to vector<1x16xf32>
        tpu.vector_store %arg10[%swap3A_343, %swap3A_344], %swap3A_347 {add = true, strides = array<i32>} : memref<512x32xf32, #tpu.memory_space<vmem>>, vector<1x16xf32>,
        %add3A_348 = arith.addi %mul3A_89, %add3A_170 : i32
        %add3A_349 = arith.constant 5 : i32
        %add3A_350 = arith.addi %add3A_348, %add3A_349 : i32
        %add3A_351 = arith.constant 5 : i32
        %add3A_352 = arith.addi %add3A_170, %add3A_351 : i32
        %add3A_353 = arith.constant 16 : i32
        %add3A_354 = arith.addi %squeeze3A_333, %add3A_353 : i32
        %get3A_355 = arith.index_cast %add3A_352 : i32 to index
        %get3A_356 = arith.index_cast %add3A_354 : i32 to index
        %get3A_357 = tpu.vector_load %arg8[%get3A_355, %get3A_356] {strides = array<i32>} : memref<128x128xf32, #tpu.memory_space<vmem>>, vector<1x16xf32>,
        %get3A_358 = vector.shape_cast %get3A_357 : vector<1x16xf32> to vector<16xf32>
        %swap3A_359 = arith.index_cast %add3A_350 : i32 to index
        %swap3A_360 = arith.constant 16 : index
        %swap3A_361 = tpu.vector_load %arg10[%swap3A_359, %swap3A_360] {strides = array<i32>} : memref<512x32xf32, #tpu.memory_space<vmem>>, vector<1x16xf32>,
        %swap3A_362 = vector.shape_cast %swap3A_361 : vector<1x16xf32> to vector<16xf32>
        %swap3A_363 = vector.shape_cast %get3A_358 : vector<16xf32> to vector<1x16xf32>
        tpu.vector_store %arg10[%swap3A_359, %swap3A_360], %swap3A_363 {add = true, strides = array<i32>} : memref<512x32xf32, #tpu.memory_space<vmem>>, vector<1x16xf32>,
        %slice3A_364 = vector.extract_strided_slice %get3A_174 {offsets = [6], sizes = [1], strides = [1]} : vector<16xi32> to vector<1xi32>
        %squeeze3A_365 = vector.extract %slice3A_364[0] : i32 from vector<1xi32>
        %add3A_366 = arith.addi %mul3A_89, %add3A_170 : i32
        %add3A_367 = arith.constant 6 : i32
        %add3A_368 = arith.addi %add3A_366, %add3A_367 : i32
        %add3A_369 = arith.constant 6 : i32
        %add3A_370 = arith.addi %add3A_170, %add3A_369 : i32
        %get3A_371 = arith.index_cast %add3A_370 : i32 to index
        %get3A_372 = arith.index_cast %squeeze3A_365 : i32 to index
        %get3A_373 = tpu.vector_load %arg8[%get3A_371, %get3A_372] {strides = array<i32>} : memref<128x128xf32, #tpu.memory_space<vmem>>, vector<1x16xf32>,
        %get3A_374 = vector.shape_cast %get3A_373 : vector<1x16xf32> to vector<16xf32>
        %swap3A_375 = arith.index_cast %add3A_368 : i32 to index
        %swap3A_376 = arith.constant 0 : index
        %swap3A_377 = tpu.vector_load %arg10[%swap3A_375, %swap3A_376] {strides = array<i32>} : memref<512x32xf32, #tpu.memory_space<vmem>>, vector<1x16xf32>,
        %swap3A_378 = vector.shape_cast %swap3A_377 : vector<1x16xf32> to vector<16xf32>
        %swap3A_379 = vector.shape_cast %get3A_374 : vector<16xf32> to vector<1x16xf32>
        tpu.vector_store %arg10[%swap3A_375, %swap3A_376], %swap3A_379 {add = true, strides = array<i32>} : memref<512x32xf32, #tpu.memory_space<vmem>>, vector<1x16xf32>,
        %add3A_380 = arith.addi %mul3A_89, %add3A_170 : i32
        %add3A_381 = arith.constant 6 : i32
        %add3A_382 = arith.addi %add3A_380, %add3A_381 : i32
        %add3A_383 = arith.constant 6 : i32
        %add3A_384 = arith.addi %add3A_170, %add3A_383 : i32
        %add3A_385 = arith.constant 16 : i32
        %add3A_386 = arith.addi %squeeze3A_365, %add3A_385 : i32
        %get3A_387 = arith.index_cast %add3A_384 : i32 to index
        %get3A_388 = arith.index_cast %add3A_386 : i32 to index
        %get3A_389 = tpu.vector_load %arg8[%get3A_387, %get3A_388] {strides = array<i32>} : memref<128x128xf32, #tpu.memory_space<vmem>>, vector<1x16xf32>,
        %get3A_390 = vector.shape_cast %get3A_389 : vector<1x16xf32> to vector<16xf32>
        %swap3A_391 = arith.index_cast %add3A_382 : i32 to index
        %swap3A_392 = arith.constant 16 : index
        %swap3A_393 = tpu.vector_load %arg10[%swap3A_391, %swap3A_392] {strides = array<i32>} : memref<512x32xf32, #tpu.memory_space<vmem>>, vector<1x16xf32>,
        %swap3A_394 = vector.shape_cast %swap3A_393 : vector<1x16xf32> to vector<16xf32>
        %swap3A_395 = vector.shape_cast %get3A_390 : vector<16xf32> to vector<1x16xf32>
        tpu.vector_store %arg10[%swap3A_391, %swap3A_392], %swap3A_395 {add = true, strides = array<i32>} : memref<512x32xf32, #tpu.memory_space<vmem>>, vector<1x16xf32>,
        %slice3A_396 = vector.extract_strided_slice %get3A_174 {offsets = [7], sizes = [1], strides = [1]} : vector<16xi32> to vector<1xi32>
        %squeeze3A_397 = vector.extract %slice3A_396[0] : i32 from vector<1xi32>
        %add3A_398 = arith.addi %mul3A_89, %add3A_170 : i32
        %add3A_399 = arith.constant 7 : i32
        %add3A_400 = arith.addi %add3A_398, %add3A_399 : i32
        %add3A_401 = arith.constant 7 : i32
        %add3A_402 = arith.addi %add3A_170, %add3A_401 : i32
        %get3A_403 = arith.index_cast %add3A_402 : i32 to index
        %get3A_404 = arith.index_cast %squeeze3A_397 : i32 to index
        %get3A_405 = tpu.vector_load %arg8[%get3A_403, %get3A_404] {strides = array<i32>} : memref<128x128xf32, #tpu.memory_space<vmem>>, vector<1x16xf32>,
        %get3A_406 = vector.shape_cast %get3A_405 : vector<1x16xf32> to vector<16xf32>
        %swap3A_407 = arith.index_cast %add3A_400 : i32 to index
        %swap3A_408 = arith.constant 0 : index
        %swap3A_409 = tpu.vector_load %arg10[%swap3A_407, %swap3A_408] {strides = array<i32>} : memref<512x32xf32, #tpu.memory_space<vmem>>, vector<1x16xf32>,
        %swap3A_410 = vector.shape_cast %swap3A_409 : vector<1x16xf32> to vector<16xf32>
        %swap3A_411 = vector.shape_cast %get3A_406 : vector<16xf32> to vector<1x16xf32>
        tpu.vector_store %arg10[%swap3A_407, %swap3A_408], %swap3A_411 {add = true, strides = array<i32>} : memref<512x32xf32, #tpu.memory_space<vmem>>, vector<1x16xf32>,
        %add3A_412 = arith.addi %mul3A_89, %add3A_170 : i32
        %add3A_413 = arith.constant 7 : i32
        %add3A_414 = arith.addi %add3A_412, %add3A_413 : i32
        %add3A_415 = arith.constant 7 : i32
        %add3A_416 = arith.addi %add3A_170, %add3A_415 : i32
        %add3A_417 = arith.constant 16 : i32
        %add3A_418 = arith.addi %squeeze3A_397, %add3A_417 : i32
        %get3A_419 = arith.index_cast %add3A_416 : i32 to index
        %get3A_420 = arith.index_cast %add3A_418 : i32 to index
        %get3A_421 = tpu.vector_load %arg8[%get3A_419, %get3A_420] {strides = array<i32>} : memref<128x128xf32, #tpu.memory_space<vmem>>, vector<1x16xf32>,
        %get3A_422 = vector.shape_cast %get3A_421 : vector<1x16xf32> to vector<16xf32>
        %swap3A_423 = arith.index_cast %add3A_414 : i32 to index
        %swap3A_424 = arith.constant 16 : index
        %swap3A_425 = tpu.vector_load %arg10[%swap3A_423, %swap3A_424] {strides = array<i32>} : memref<512x32xf32, #tpu.memory_space<vmem>>, vector<1x16xf32>,
        %swap3A_426 = vector.shape_cast %swap3A_425 : vector<1x16xf32> to vector<16xf32>
        %swap3A_427 = vector.shape_cast %get3A_422 : vector<16xf32> to vector<1x16xf32>
        tpu.vector_store %arg10[%swap3A_423, %swap3A_424], %swap3A_427 {add = true, strides = array<i32>} : memref<512x32xf32, #tpu.memory_space<vmem>>, vector<1x16xf32>,
        %slice3A_428 = vector.extract_strided_slice %get3A_174 {offsets = [8], sizes = [1], strides = [1]} : vector<16xi32> to vector<1xi32>
        %squeeze3A_429 = vector.extract %slice3A_428[0] : i32 from vector<1xi32>
        %add3A_430 = arith.addi %mul3A_89, %add3A_170 : i32
        %add3A_431 = arith.constant 8 : i32
        %add3A_432 = arith.addi %add3A_430, %add3A_431 : i32
        %add3A_433 = arith.constant 8 : i32
        %add3A_434 = arith.addi %add3A_170, %add3A_433 : i32
        %get3A_435 = arith.index_cast %add3A_434 : i32 to index
        %get3A_436 = arith.index_cast %squeeze3A_429 : i32 to index
        %get3A_437 = tpu.vector_load %arg8[%get3A_435, %get3A_436] {strides = array<i32>} : memref<128x128xf32, #tpu.memory_space<vmem>>, vector<1x16xf32>,
        %get3A_438 = vector.shape_cast %get3A_437 : vector<1x16xf32> to vector<16xf32>
        %swap3A_439 = arith.index_cast %add3A_432 : i32 to index
        %swap3A_440 = arith.constant 0 : index
        %swap3A_441 = tpu.vector_load %arg10[%swap3A_439, %swap3A_440] {strides = array<i32>} : memref<512x32xf32, #tpu.memory_space<vmem>>, vector<1x16xf32>,
        %swap3A_442 = vector.shape_cast %swap3A_441 : vector<1x16xf32> to vector<16xf32>
        %swap3A_443 = vector.shape_cast %get3A_438 : vector<16xf32> to vector<1x16xf32>
        tpu.vector_store %arg10[%swap3A_439, %swap3A_440], %swap3A_443 {add = true, strides = array<i32>} : memref<512x32xf32, #tpu.memory_space<vmem>>, vector<1x16xf32>,
        %add3A_444 = arith.addi %mul3A_89, %add3A_170 : i32
        %add3A_445 = arith.constant 8 : i32
        %add3A_446 = arith.addi %add3A_444, %add3A_445 : i32
        %add3A_447 = arith.constant 8 : i32
        %add3A_448 = arith.addi %add3A_170, %add3A_447 : i32
        %add3A_449 = arith.constant 16 : i32
        %add3A_450 = arith.addi %squeeze3A_429, %add3A_449 : i32
        %get3A_451 = arith.index_cast %add3A_448 : i32 to index
        %get3A_452 = arith.index_cast %add3A_450 : i32 to index
        %get3A_453 = tpu.vector_load %arg8[%get3A_451, %get3A_452] {strides = array<i32>} : memref<128x128xf32, #tpu.memory_space<vmem>>, vector<1x16xf32>,
        %get3A_454 = vector.shape_cast %get3A_453 : vector<1x16xf32> to vector<16xf32>
        %swap3A_455 = arith.index_cast %add3A_446 : i32 to index
        %swap3A_456 = arith.constant 16 : index
        %swap3A_457 = tpu.vector_load %arg10[%swap3A_455, %swap3A_456] {strides = array<i32>} : memref<512x32xf32, #tpu.memory_space<vmem>>, vector<1x16xf32>,
        %swap3A_458 = vector.shape_cast %swap3A_457 : vector<1x16xf32> to vector<16xf32>
        %swap3A_459 = vector.shape_cast %get3A_454 : vector<16xf32> to vector<1x16xf32>
        tpu.vector_store %arg10[%swap3A_455, %swap3A_456], %swap3A_459 {add = true, strides = array<i32>} : memref<512x32xf32, #tpu.memory_space<vmem>>, vector<1x16xf32>,
        %slice3A_460 = vector.extract_strided_slice %get3A_174 {offsets = [9], sizes = [1], strides = [1]} : vector<16xi32> to vector<1xi32>
        %squeeze3A_461 = vector.extract %slice3A_460[0] : i32 from vector<1xi32>
        %add3A_462 = arith.addi %mul3A_89, %add3A_170 : i32
        %add3A_463 = arith.constant 9 : i32
        %add3A_464 = arith.addi %add3A_462, %add3A_463 : i32
        %add3A_465 = arith.constant 9 : i32
        %add3A_466 = arith.addi %add3A_170, %add3A_465 : i32
        %get3A_467 = arith.index_cast %add3A_466 : i32 to index
        %get3A_468 = arith.index_cast %squeeze3A_461 : i32 to index
        %get3A_469 = tpu.vector_load %arg8[%get3A_467, %get3A_468] {strides = array<i32>} : memref<128x128xf32, #tpu.memory_space<vmem>>, vector<1x16xf32>,
        %get3A_470 = vector.shape_cast %get3A_469 : vector<1x16xf32> to vector<16xf32>
        %swap3A_471 = arith.index_cast %add3A_464 : i32 to index
        %swap3A_472 = arith.constant 0 : index
        %swap3A_473 = tpu.vector_load %arg10[%swap3A_471, %swap3A_472] {strides = array<i32>} : memref<512x32xf32, #tpu.memory_space<vmem>>, vector<1x16xf32>,
        %swap3A_474 = vector.shape_cast %swap3A_473 : vector<1x16xf32> to vector<16xf32>
        %swap3A_475 = vector.shape_cast %get3A_470 : vector<16xf32> to vector<1x16xf32>
        tpu.vector_store %arg10[%swap3A_471, %swap3A_472], %swap3A_475 {add = true, strides = array<i32>} : memref<512x32xf32, #tpu.memory_space<vmem>>, vector<1x16xf32>,
        %add3A_476 = arith.addi %mul3A_89, %add3A_170 : i32
        %add3A_477 = arith.constant 9 : i32
        %add3A_478 = arith.addi %add3A_476, %add3A_477 : i32
        %add3A_479 = arith.constant 9 : i32
        %add3A_480 = arith.addi %add3A_170, %add3A_479 : i32
        %add3A_481 = arith.constant 16 : i32
        %add3A_482 = arith.addi %squeeze3A_461, %add3A_481 : i32
        %get3A_483 = arith.index_cast %add3A_480 : i32 to index
        %get3A_484 = arith.index_cast %add3A_482 : i32 to index
        %get3A_485 = tpu.vector_load %arg8[%get3A_483, %get3A_484] {strides = array<i32>} : memref<128x128xf32, #tpu.memory_space<vmem>>, vector<1x16xf32>,
        %get3A_486 = vector.shape_cast %get3A_485 : vector<1x16xf32> to vector<16xf32>
        %swap3A_487 = arith.index_cast %add3A_478 : i32 to index
        %swap3A_488 = arith.constant 16 : index
        %swap3A_489 = tpu.vector_load %arg10[%swap3A_487, %swap3A_488] {strides = array<i32>} : memref<512x32xf32, #tpu.memory_space<vmem>>, vector<1x16xf32>,
        %swap3A_490 = vector.shape_cast %swap3A_489 : vector<1x16xf32> to vector<16xf32>
        %swap3A_491 = vector.shape_cast %get3A_486 : vector<16xf32> to vector<1x16xf32>
        tpu.vector_store %arg10[%swap3A_487, %swap3A_488], %swap3A_491 {add = true, strides = array<i32>} : memref<512x32xf32, #tpu.memory_space<vmem>>, vector<1x16xf32>,
        %slice3A_492 = vector.extract_strided_slice %get3A_174 {offsets = [10], sizes = [1], strides = [1]} : vector<16xi32> to vector<1xi32>
        %squeeze3A_493 = vector.extract %slice3A_492[0] : i32 from vector<1xi32>
        %add3A_494 = arith.addi %mul3A_89, %add3A_170 : i32
        %add3A_495 = arith.constant 10 : i32
        %add3A_496 = arith.addi %add3A_494, %add3A_495 : i32
        %add3A_497 = arith.constant 10 : i32
        %add3A_498 = arith.addi %add3A_170, %add3A_497 : i32
        %get3A_499 = arith.index_cast %add3A_498 : i32 to index
        %get3A_500 = arith.index_cast %squeeze3A_493 : i32 to index
        %get3A_501 = tpu.vector_load %arg8[%get3A_499, %get3A_500] {strides = array<i32>} : memref<128x128xf32, #tpu.memory_space<vmem>>, vector<1x16xf32>,
        %get3A_502 = vector.shape_cast %get3A_501 : vector<1x16xf32> to vector<16xf32>
        %swap3A_503 = arith.index_cast %add3A_496 : i32 to index
        %swap3A_504 = arith.constant 0 : index
        %swap3A_505 = tpu.vector_load %arg10[%swap3A_503, %swap3A_504] {strides = array<i32>} : memref<512x32xf32, #tpu.memory_space<vmem>>, vector<1x16xf32>,
        %swap3A_506 = vector.shape_cast %swap3A_505 : vector<1x16xf32> to vector<16xf32>
        %swap3A_507 = vector.shape_cast %get3A_502 : vector<16xf32> to vector<1x16xf32>
        tpu.vector_store %arg10[%swap3A_503, %swap3A_504], %swap3A_507 {add = true, strides = array<i32>} : memref<512x32xf32, #tpu.memory_space<vmem>>, vector<1x16xf32>,
        %add3A_508 = arith.addi %mul3A_89, %add3A_170 : i32
        %add3A_509 = arith.constant 10 : i32
        %add3A_510 = arith.addi %add3A_508, %add3A_509 : i32
        %add3A_511 = arith.constant 10 : i32
        %add3A_512 = arith.addi %add3A_170, %add3A_511 : i32
        %add3A_513 = arith.constant 16 : i32
        %add3A_514 = arith.addi %squeeze3A_493, %add3A_513 : i32
        %get3A_515 = arith.index_cast %add3A_512 : i32 to index
        %get3A_516 = arith.index_cast %add3A_514 : i32 to index
        %get3A_517 = tpu.vector_load %arg8[%get3A_515, %get3A_516] {strides = array<i32>} : memref<128x128xf32, #tpu.memory_space<vmem>>, vector<1x16xf32>,
        %get3A_518 = vector.shape_cast %get3A_517 : vector<1x16xf32> to vector<16xf32>
        %swap3A_519 = arith.index_cast %add3A_510 : i32 to index
        %swap3A_520 = arith.constant 16 : index
        %swap3A_521 = tpu.vector_load %arg10[%swap3A_519, %swap3A_520] {strides = array<i32>} : memref<512x32xf32, #tpu.memory_space<vmem>>, vector<1x16xf32>,
        %swap3A_522 = vector.shape_cast %swap3A_521 : vector<1x16xf32> to vector<16xf32>
        %swap3A_523 = vector.shape_cast %get3A_518 : vector<16xf32> to vector<1x16xf32>
        tpu.vector_store %arg10[%swap3A_519, %swap3A_520], %swap3A_523 {add = true, strides = array<i32>} : memref<512x32xf32, #tpu.memory_space<vmem>>, vector<1x16xf32>,
        %slice3A_524 = vector.extract_strided_slice %get3A_174 {offsets = [11], sizes = [1], strides = [1]} : vector<16xi32> to vector<1xi32>
        %squeeze3A_525 = vector.extract %slice3A_524[0] : i32 from vector<1xi32>
        %add3A_526 = arith.addi %mul3A_89, %add3A_170 : i32
        %add3A_527 = arith.constant 11 : i32
        %add3A_528 = arith.addi %add3A_526, %add3A_527 : i32
        %add3A_529 = arith.constant 11 : i32
        %add3A_530 = arith.addi %add3A_170, %add3A_529 : i32
        %get3A_531 = arith.index_cast %add3A_530 : i32 to index
        %get3A_532 = arith.index_cast %squeeze3A_525 : i32 to index
        %get3A_533 = tpu.vector_load %arg8[%get3A_531, %get3A_532] {strides = array<i32>} : memref<128x128xf32, #tpu.memory_space<vmem>>, vector<1x16xf32>,
        %get3A_534 = vector.shape_cast %get3A_533 : vector<1x16xf32> to vector<16xf32>
        %swap3A_535 = arith.index_cast %add3A_528 : i32 to index
        %swap3A_536 = arith.constant 0 : index
        %swap3A_537 = tpu.vector_load %arg10[%swap3A_535, %swap3A_536] {strides = array<i32>} : memref<512x32xf32, #tpu.memory_space<vmem>>, vector<1x16xf32>,
        %swap3A_538 = vector.shape_cast %swap3A_537 : vector<1x16xf32> to vector<16xf32>
        %swap3A_539 = vector.shape_cast %get3A_534 : vector<16xf32> to vector<1x16xf32>
        tpu.vector_store %arg10[%swap3A_535, %swap3A_536], %swap3A_539 {add = true, strides = array<i32>} : memref<512x32xf32, #tpu.memory_space<vmem>>, vector<1x16xf32>,
        %add3A_540 = arith.addi %mul3A_89, %add3A_170 : i32
        %add3A_541 = arith.constant 11 : i32
        %add3A_542 = arith.addi %add3A_540, %add3A_541 : i32
        %add3A_543 = arith.constant 11 : i32
        %add3A_544 = arith.addi %add3A_170, %add3A_543 : i32
        %add3A_545 = arith.constant 16 : i32
        %add3A_546 = arith.addi %squeeze3A_525, %add3A_545 : i32
        %get3A_547 = arith.index_cast %add3A_544 : i32 to index
        %get3A_548 = arith.index_cast %add3A_546 : i32 to index
        %get3A_549 = tpu.vector_load %arg8[%get3A_547, %get3A_548] {strides = array<i32>} : memref<128x128xf32, #tpu.memory_space<vmem>>, vector<1x16xf32>,
        %get3A_550 = vector.shape_cast %get3A_549 : vector<1x16xf32> to vector<16xf32>
        %swap3A_551 = arith.index_cast %add3A_542 : i32 to index
        %swap3A_552 = arith.constant 16 : index
        %swap3A_553 = tpu.vector_load %arg10[%swap3A_551, %swap3A_552] {strides = array<i32>} : memref<512x32xf32, #tpu.memory_space<vmem>>, vector<1x16xf32>,
        %swap3A_554 = vector.shape_cast %swap3A_553 : vector<1x16xf32> to vector<16xf32>
        %swap3A_555 = vector.shape_cast %get3A_550 : vector<16xf32> to vector<1x16xf32>
        tpu.vector_store %arg10[%swap3A_551, %swap3A_552], %swap3A_555 {add = true, strides = array<i32>} : memref<512x32xf32, #tpu.memory_space<vmem>>, vector<1x16xf32>,
        %slice3A_556 = vector.extract_strided_slice %get3A_174 {offsets = [12], sizes = [1], strides = [1]} : vector<16xi32> to vector<1xi32>
        %squeeze3A_557 = vector.extract %slice3A_556[0] : i32 from vector<1xi32>
        %add3A_558 = arith.addi %mul3A_89, %add3A_170 : i32
        %add3A_559 = arith.constant 12 : i32
        %add3A_560 = arith.addi %add3A_558, %add3A_559 : i32
        %add3A_561 = arith.constant 12 : i32
        %add3A_562 = arith.addi %add3A_170, %add3A_561 : i32
        %get3A_563 = arith.index_cast %add3A_562 : i32 to index
        %get3A_564 = arith.index_cast %squeeze3A_557 : i32 to index
        %get3A_565 = tpu.vector_load %arg8[%get3A_563, %get3A_564] {strides = array<i32>} : memref<128x128xf32, #tpu.memory_space<vmem>>, vector<1x16xf32>,
        %get3A_566 = vector.shape_cast %get3A_565 : vector<1x16xf32> to vector<16xf32>
        %swap3A_567 = arith.index_cast %add3A_560 : i32 to index
        %swap3A_568 = arith.constant 0 : index
        %swap3A_569 = tpu.vector_load %arg10[%swap3A_567, %swap3A_568] {strides = array<i32>} : memref<512x32xf32, #tpu.memory_space<vmem>>, vector<1x16xf32>,
        %swap3A_570 = vector.shape_cast %swap3A_569 : vector<1x16xf32> to vector<16xf32>
        %swap3A_571 = vector.shape_cast %get3A_566 : vector<16xf32> to vector<1x16xf32>
        tpu.vector_store %arg10[%swap3A_567, %swap3A_568], %swap3A_571 {add = true, strides = array<i32>} : memref<512x32xf32, #tpu.memory_space<vmem>>, vector<1x16xf32>,
        %add3A_572 = arith.addi %mul3A_89, %add3A_170 : i32
        %add3A_573 = arith.constant 12 : i32
        %add3A_574 = arith.addi %add3A_572, %add3A_573 : i32
        %add3A_575 = arith.constant 12 : i32
        %add3A_576 = arith.addi %add3A_170, %add3A_575 : i32
        %add3A_577 = arith.constant 16 : i32
        %add3A_578 = arith.addi %squeeze3A_557, %add3A_577 : i32
        %get3A_579 = arith.index_cast %add3A_576 : i32 to index
        %get3A_580 = arith.index_cast %add3A_578 : i32 to index
        %get3A_581 = tpu.vector_load %arg8[%get3A_579, %get3A_580] {strides = array<i32>} : memref<128x128xf32, #tpu.memory_space<vmem>>, vector<1x16xf32>,
        %get3A_582 = vector.shape_cast %get3A_581 : vector<1x16xf32> to vector<16xf32>
        %swap3A_583 = arith.index_cast %add3A_574 : i32 to index
        %swap3A_584 = arith.constant 16 : index
        %swap3A_585 = tpu.vector_load %arg10[%swap3A_583, %swap3A_584] {strides = array<i32>} : memref<512x32xf32, #tpu.memory_space<vmem>>, vector<1x16xf32>,
        %swap3A_586 = vector.shape_cast %swap3A_585 : vector<1x16xf32> to vector<16xf32>
        %swap3A_587 = vector.shape_cast %get3A_582 : vector<16xf32> to vector<1x16xf32>
        tpu.vector_store %arg10[%swap3A_583, %swap3A_584], %swap3A_587 {add = true, strides = array<i32>} : memref<512x32xf32, #tpu.memory_space<vmem>>, vector<1x16xf32>,
        %slice3A_588 = vector.extract_strided_slice %get3A_174 {offsets = [13], sizes = [1], strides = [1]} : vector<16xi32> to vector<1xi32>
        %squeeze3A_589 = vector.extract %slice3A_588[0] : i32 from vector<1xi32>
        %add3A_590 = arith.addi %mul3A_89, %add3A_170 : i32
        %add3A_591 = arith.constant 13 : i32
        %add3A_592 = arith.addi %add3A_590, %add3A_591 : i32
        %add3A_593 = arith.constant 13 : i32
        %add3A_594 = arith.addi %add3A_170, %add3A_593 : i32
        %get3A_595 = arith.index_cast %add3A_594 : i32 to index
        %get3A_596 = arith.index_cast %squeeze3A_589 : i32 to index
        %get3A_597 = tpu.vector_load %arg8[%get3A_595, %get3A_596] {strides = array<i32>} : memref<128x128xf32, #tpu.memory_space<vmem>>, vector<1x16xf32>,
        %get3A_598 = vector.shape_cast %get3A_597 : vector<1x16xf32> to vector<16xf32>
        %swap3A_599 = arith.index_cast %add3A_592 : i32 to index
        %swap3A_600 = arith.constant 0 : index
        %swap3A_601 = tpu.vector_load %arg10[%swap3A_599, %swap3A_600] {strides = array<i32>} : memref<512x32xf32, #tpu.memory_space<vmem>>, vector<1x16xf32>,
        %swap3A_602 = vector.shape_cast %swap3A_601 : vector<1x16xf32> to vector<16xf32>
        %swap3A_603 = vector.shape_cast %get3A_598 : vector<16xf32> to vector<1x16xf32>
        tpu.vector_store %arg10[%swap3A_599, %swap3A_600], %swap3A_603 {add = true, strides = array<i32>} : memref<512x32xf32, #tpu.memory_space<vmem>>, vector<1x16xf32>,
        %add3A_604 = arith.addi %mul3A_89, %add3A_170 : i32
        %add3A_605 = arith.constant 13 : i32
        %add3A_606 = arith.addi %add3A_604, %add3A_605 : i32
        %add3A_607 = arith.constant 13 : i32
        %add3A_608 = arith.addi %add3A_170, %add3A_607 : i32
        %add3A_609 = arith.constant 16 : i32
        %add3A_610 = arith.addi %squeeze3A_589, %add3A_609 : i32
        %get3A_611 = arith.index_cast %add3A_608 : i32 to index
        %get3A_612 = arith.index_cast %add3A_610 : i32 to index
        %get3A_613 = tpu.vector_load %arg8[%get3A_611, %get3A_612] {strides = array<i32>} : memref<128x128xf32, #tpu.memory_space<vmem>>, vector<1x16xf32>,
        %get3A_614 = vector.shape_cast %get3A_613 : vector<1x16xf32> to vector<16xf32>
        %swap3A_615 = arith.index_cast %add3A_606 : i32 to index
        %swap3A_616 = arith.constant 16 : index
        %swap3A_617 = tpu.vector_load %arg10[%swap3A_615, %swap3A_616] {strides = array<i32>} : memref<512x32xf32, #tpu.memory_space<vmem>>, vector<1x16xf32>,
        %swap3A_618 = vector.shape_cast %swap3A_617 : vector<1x16xf32> to vector<16xf32>
        %swap3A_619 = vector.shape_cast %get3A_614 : vector<16xf32> to vector<1x16xf32>
        tpu.vector_store %arg10[%swap3A_615, %swap3A_616], %swap3A_619 {add = true, strides = array<i32>} : memref<512x32xf32, #tpu.memory_space<vmem>>, vector<1x16xf32>,
        %slice3A_620 = vector.extract_strided_slice %get3A_174 {offsets = [14], sizes = [1], strides = [1]} : vector<16xi32> to vector<1xi32>
        %squeeze3A_621 = vector.extract %slice3A_620[0] : i32 from vector<1xi32>
        %add3A_622 = arith.addi %mul3A_89, %add3A_170 : i32
        %add3A_623 = arith.constant 14 : i32
        %add3A_624 = arith.addi %add3A_622, %add3A_623 : i32
        %add3A_625 = arith.constant 14 : i32
        %add3A_626 = arith.addi %add3A_170, %add3A_625 : i32
        %get3A_627 = arith.index_cast %add3A_626 : i32 to index
        %get3A_628 = arith.index_cast %squeeze3A_621 : i32 to index
        %get3A_629 = tpu.vector_load %arg8[%get3A_627, %get3A_628] {strides = array<i32>} : memref<128x128xf32, #tpu.memory_space<vmem>>, vector<1x16xf32>,
        %get3A_630 = vector.shape_cast %get3A_629 : vector<1x16xf32> to vector<16xf32>
        %swap3A_631 = arith.index_cast %add3A_624 : i32 to index
        %swap3A_632 = arith.constant 0 : index
        %swap3A_633 = tpu.vector_load %arg10[%swap3A_631, %swap3A_632] {strides = array<i32>} : memref<512x32xf32, #tpu.memory_space<vmem>>, vector<1x16xf32>,
        %swap3A_634 = vector.shape_cast %swap3A_633 : vector<1x16xf32> to vector<16xf32>
        %swap3A_635 = vector.shape_cast %get3A_630 : vector<16xf32> to vector<1x16xf32>
        tpu.vector_store %arg10[%swap3A_631, %swap3A_632], %swap3A_635 {add = true, strides = array<i32>} : memref<512x32xf32, #tpu.memory_space<vmem>>, vector<1x16xf32>,
        %add3A_636 = arith.addi %mul3A_89, %add3A_170 : i32
        %add3A_637 = arith.constant 14 : i32
        %add3A_638 = arith.addi %add3A_636, %add3A_637 : i32
        %add3A_639 = arith.constant 14 : i32
        %add3A_640 = arith.addi %add3A_170, %add3A_639 : i32
        %add3A_641 = arith.constant 16 : i32
        %add3A_642 = arith.addi %squeeze3A_621, %add3A_641 : i32
        %get3A_643 = arith.index_cast %add3A_640 : i32 to index
        %get3A_644 = arith.index_cast %add3A_642 : i32 to index
        %get3A_645 = tpu.vector_load %arg8[%get3A_643, %get3A_644] {strides = array<i32>} : memref<128x128xf32, #tpu.memory_space<vmem>>, vector<1x16xf32>,
        %get3A_646 = vector.shape_cast %get3A_645 : vector<1x16xf32> to vector<16xf32>
        %swap3A_647 = arith.index_cast %add3A_638 : i32 to index
        %swap3A_648 = arith.constant 16 : index
        %swap3A_649 = tpu.vector_load %arg10[%swap3A_647, %swap3A_648] {strides = array<i32>} : memref<512x32xf32, #tpu.memory_space<vmem>>, vector<1x16xf32>,
        %swap3A_650 = vector.shape_cast %swap3A_649 : vector<1x16xf32> to vector<16xf32>
        %swap3A_651 = vector.shape_cast %get3A_646 : vector<16xf32> to vector<1x16xf32>
        tpu.vector_store %arg10[%swap3A_647, %swap3A_648], %swap3A_651 {add = true, strides = array<i32>} : memref<512x32xf32, #tpu.memory_space<vmem>>, vector<1x16xf32>,
        %slice3A_652 = vector.extract_strided_slice %get3A_174 {offsets = [15], sizes = [1], strides = [1]} : vector<16xi32> to vector<1xi32>
        %squeeze3A_653 = vector.extract %slice3A_652[0] : i32 from vector<1xi32>
        %add3A_654 = arith.addi %mul3A_89, %add3A_170 : i32
        %add3A_655 = arith.constant 15 : i32
        %add3A_656 = arith.addi %add3A_654, %add3A_655 : i32
        %add3A_657 = arith.constant 15 : i32
        %add3A_658 = arith.addi %add3A_170, %add3A_657 : i32
        %get3A_659 = arith.index_cast %add3A_658 : i32 to index
        %get3A_660 = arith.index_cast %squeeze3A_653 : i32 to index
        %get3A_661 = tpu.vector_load %arg8[%get3A_659, %get3A_660] {strides = array<i32>} : memref<128x128xf32, #tpu.memory_space<vmem>>, vector<1x16xf32>,
        %get3A_662 = vector.shape_cast %get3A_661 : vector<1x16xf32> to vector<16xf32>
        %swap3A_663 = arith.index_cast %add3A_656 : i32 to index
        %swap3A_664 = arith.constant 0 : index
        %swap3A_665 = tpu.vector_load %arg10[%swap3A_663, %swap3A_664] {strides = array<i32>} : memref<512x32xf32, #tpu.memory_space<vmem>>, vector<1x16xf32>,
        %swap3A_666 = vector.shape_cast %swap3A_665 : vector<1x16xf32> to vector<16xf32>
        %swap3A_667 = vector.shape_cast %get3A_662 : vector<16xf32> to vector<1x16xf32>
        tpu.vector_store %arg10[%swap3A_663, %swap3A_664], %swap3A_667 {add = true, strides = array<i32>} : memref<512x32xf32, #tpu.memory_space<vmem>>, vector<1x16xf32>,
        %add3A_668 = arith.addi %mul3A_89, %add3A_170 : i32
        %add3A_669 = arith.constant 15 : i32
        %add3A_670 = arith.addi %add3A_668, %add3A_669 : i32
        %add3A_671 = arith.constant 15 : i32
        %add3A_672 = arith.addi %add3A_170, %add3A_671 : i32
        %add3A_673 = arith.constant 16 : i32
        %add3A_674 = arith.addi %squeeze3A_653, %add3A_673 : i32
        %get3A_675 = arith.index_cast %add3A_672 : i32 to index
        %get3A_676 = arith.index_cast %add3A_674 : i32 to index
        %get3A_677 = tpu.vector_load %arg8[%get3A_675, %get3A_676] {strides = array<i32>} : memref<128x128xf32, #tpu.memory_space<vmem>>, vector<1x16xf32>,
        %get3A_678 = vector.shape_cast %get3A_677 : vector<1x16xf32> to vector<16xf32>
        %swap3A_679 = arith.index_cast %add3A_670 : i32 to index
        %swap3A_680 = arith.constant 16 : index
        %swap3A_681 = tpu.vector_load %arg10[%swap3A_679, %swap3A_680] {strides = array<i32>} : memref<512x32xf32, #tpu.memory_space<vmem>>, vector<1x16xf32>,
        %swap3A_682 = vector.shape_cast %swap3A_681 : vector<1x16xf32> to vector<16xf32>
        %swap3A_683 = vector.shape_cast %get3A_678 : vector<16xf32> to vector<1x16xf32>
        tpu.vector_store %arg10[%swap3A_679, %swap3A_680], %swap3A_683 {add = true, strides = array<i32>} : memref<512x32xf32, #tpu.memory_space<vmem>>, vector<1x16xf32>,
      }
      %scan3A_94 = arith.constant 8 : i32
      %add3A_95 = arith.constant 2 : i32
      %add3A_96 = arith.addi %add3A_48, %add3A_95 : i32
      %lt3A_97 = arith.constant 104 : i32
      %lt3A_98 = arith.cmpi slt, %add3A_96, %lt3A_97 : i32
      %convert_element_type3A = arith.extui %lt3A_98 : i1 to i32
      %cond3A = arith.constant 0 : i32
      %cond3A_99 = arith.cmpi ne, %convert_element_type3A, %cond3A : i32
      scf.if %cond3A_99 {
        %jit3A_166 = arith.constant 4 : i32
        %div3A_167 = arith.divsi %add3A_96, %jit3A_166 : i32
        %sign3A_168 = arith.constant 0 : i32
        %sign3A_169 = arith.cmpi sgt, %add3A_96, %sign3A_168 : i32
        %sign3A_170 = arith.extui %sign3A_169 : i1 to i32
        %sign3A_171 = arith.constant 0 : i32
        %sign3A_172 = arith.cmpi slt, %add3A_96, %sign3A_171 : i32
        %sign3A_173 = arith.extui %sign3A_172 : i1 to i32
        %sign3A_174 = arith.subi %sign3A_170, %sign3A_173 : i32
        %sign3A_175 = arith.constant 0 : i32
        %sign3A_176 = arith.cmpi sgt, %jit3A_166, %sign3A_175 : i32
        %sign3A_177 = arith.extui %sign3A_176 : i1 to i32
        %sign3A_178 = arith.constant 0 : i32
        %sign3A_179 = arith.cmpi slt, %jit3A_166, %sign3A_178 : i32
        %sign3A_180 = arith.extui %sign3A_179 : i1 to i32
        %sign3A_181 = arith.subi %sign3A_177, %sign3A_180 : i32
        %ne3A_182 = arith.cmpi ne, %sign3A_174, %sign3A_181 : i32
        %rem3A_183 = arith.remsi %add3A_96, %jit3A_166 : i32
        %ne3A_184 = arith.constant 0 : i32
        %ne3A_185 = arith.cmpi ne, %rem3A_183, %ne3A_184 : i32
        %and3A_186 = arith.andi %ne3A_182, %ne3A_185 : i1
        %sub3A_187 = arith.constant 1 : i32
        %sub3A_188 = arith.subi %div3A_167, %sub3A_187 : i32
        %select_n3A_189 = arith.select %and3A_186, %sub3A_188, %div3A_167 : i32
        %jit3A_190 = arith.constant 4 : i32
        %eq3A_191 = arith.constant 0 : i32
        %eq3A_192 = arith.cmpi eq, %jit3A_190, %eq3A_191 : i32
        %jit3A_193 = arith.constant 1 : i32
        %select_n3A_194 = arith.select %eq3A_192, %jit3A_193, %jit3A_190 : i32
        %rem3A_195 = arith.remsi %add3A_96, %select_n3A_194 : i32
        %ne3A_196 = arith.constant 0 : i32
        %ne3A_197 = arith.cmpi ne, %rem3A_195, %ne3A_196 : i32
        %lt3A_198 = arith.constant 0 : i32
        %lt3A_199 = arith.cmpi slt, %rem3A_195, %lt3A_198 : i32
        %lt3A_200 = arith.constant 0 : i32
        %lt3A_201 = arith.cmpi slt, %select_n3A_194, %lt3A_200 : i32
        %ne3A_202 = arith.xori %lt3A_199, %lt3A_201 : i1
        %and3A_203 = arith.andi %ne3A_202, %ne3A_197 : i1
        %add3A_204 = arith.addi %rem3A_195, %select_n3A_194 : i32
        %select_n3A_205 = arith.select %and3A_203, %add3A_204, %rem3A_195 : i32
        %dma_start3A_206 = arith.constant 0 : i32
        %dma_start3A_207 = tpu.memref_slice %arg6[%select_n3A_189, %select_n3A_205, %dma_start3A_206] : memref<26x4x128xi32, #tpu.memory_space<vmem>> -> memref<1x1x128xi32, #tpu.memory_space<vmem>>
        %dma_start3A_208 = tpu.memref_squeeze %dma_start3A_207 : memref<1x1x128xi32, #tpu.memory_space<vmem>> -> memref<128xi32, #tpu.memory_space<vmem>>
        %dma_start3A_209 = arith.constant 0 : i32
        %dma_start3A_210 = arith.constant 0 : i32
        %dma_start3A_211 = tpu.memref_slice %arg2[%select_n3A_189, %dma_start3A_209, %dma_start3A_210] : memref<26x25600x128xf32, #tpu.memory_space<hbm>> -> memref<1x25600x128xf32, #tpu.memory_space<hbm>>
        %dma_start3A_212 = tpu.memref_squeeze %dma_start3A_211 : memref<1x25600x128xf32, #tpu.memory_space<hbm>> -> memref<25600x128xf32, #tpu.memory_space<hbm>>
        %dma_start3A_213 = arith.constant 0 : i32
        %dma_start3A_214 = arith.constant 0 : i32
        %dma_start3A_215 = tpu.memref_slice %dma_start3A_212[%dma_start3A_213, %dma_start3A_214] : memref<25600x128xf32, #tpu.memory_space<hbm>> -> memref<25600x128xf32, #tpu.memory_space<hbm>>
        tpu.enqueue_indirect_dma source(%dma_start3A_215 : memref<25600x128xf32, #tpu.memory_space<hbm>>) target(%arg8 : memref<128x128xf32, #tpu.memory_space<vmem>>) offsets(%dma_start3A_208 : memref<128xi32, #tpu.memory_space<vmem>>) semaphore(%arg11 : memref<!tpu.dma_semaphore, #tpu.memory_space<semaphore_mem>>)
      } else {
      }
      %add3A_100 = arith.constant 1 : i32
      %add3A_101 = arith.addi %add3A_46, %add3A_100 : i32
      %jit3A_102 = arith.constant 4 : i32
      %div3A_103 = arith.divsi %add3A_101, %jit3A_102 : i32
      %sign3A_104 = arith.constant 0 : i32
      %sign3A_105 = arith.cmpi sgt, %add3A_101, %sign3A_104 : i32
      %sign3A_106 = arith.extui %sign3A_105 : i1 to i32
      %sign3A_107 = arith.constant 0 : i32
      %sign3A_108 = arith.cmpi slt, %add3A_101, %sign3A_107 : i32
      %sign3A_109 = arith.extui %sign3A_108 : i1 to i32
      %sign3A_110 = arith.subi %sign3A_106, %sign3A_109 : i32
      %sign3A_111 = arith.constant 0 : i32
      %sign3A_112 = arith.cmpi sgt, %jit3A_102, %sign3A_111 : i32
      %sign3A_113 = arith.extui %sign3A_112 : i1 to i32
      %sign3A_114 = arith.constant 0 : i32
      %sign3A_115 = arith.cmpi slt, %jit3A_102, %sign3A_114 : i32
      %sign3A_116 = arith.extui %sign3A_115 : i1 to i32
      %sign3A_117 = arith.subi %sign3A_113, %sign3A_116 : i32
      %ne3A_118 = arith.cmpi ne, %sign3A_110, %sign3A_117 : i32
      %rem3A_119 = arith.remsi %add3A_101, %jit3A_102 : i32
      %ne3A_120 = arith.constant 0 : i32
      %ne3A_121 = arith.cmpi ne, %rem3A_119, %ne3A_120 : i32
      %and3A_122 = arith.andi %ne3A_118, %ne3A_121 : i1
      %sub3A_123 = arith.constant 1 : i32
      %sub3A_124 = arith.subi %div3A_103, %sub3A_123 : i32
      %select_n3A_125 = arith.select %and3A_122, %sub3A_124, %div3A_103 : i32
      %jit3A_126 = arith.constant 4 : i32
      %eq3A_127 = arith.constant 0 : i32
      %eq3A_128 = arith.cmpi eq, %jit3A_126, %eq3A_127 : i32
      %jit3A_129 = arith.constant 1 : i32
      %select_n3A_130 = arith.select %eq3A_128, %jit3A_129, %jit3A_126 : i32
      %rem3A_131 = arith.remsi %add3A_101, %select_n3A_130 : i32
      %ne3A_132 = arith.constant 0 : i32
      %ne3A_133 = arith.cmpi ne, %rem3A_131, %ne3A_132 : i32
      %lt3A_134 = arith.constant 0 : i32
      %lt3A_135 = arith.cmpi slt, %rem3A_131, %lt3A_134 : i32
      %lt3A_136 = arith.constant 0 : i32
      %lt3A_137 = arith.cmpi slt, %select_n3A_130, %lt3A_136 : i32
      %ne3A_138 = arith.xori %lt3A_135, %lt3A_137 : i1
      %and3A_139 = arith.andi %ne3A_138, %ne3A_133 : i1
      %add3A_140 = arith.addi %rem3A_131, %select_n3A_130 : i32
      %select_n3A_141 = arith.select %and3A_139, %add3A_140, %rem3A_131 : i32
      %dma_wait3A_142 = arith.constant 0 : i32
      %dma_wait3A_143 = tpu.memref_slice %arg6[%select_n3A_125, %select_n3A_141, %dma_wait3A_142] : memref<26x4x128xi32, #tpu.memory_space<vmem>> -> memref<1x1x128xi32, #tpu.memory_space<vmem>>
      %dma_wait3A_144 = tpu.memref_squeeze %dma_wait3A_143 : memref<1x1x128xi32, #tpu.memory_space<vmem>> -> memref<128xi32, #tpu.memory_space<vmem>>
      %dma_wait3A_145 = arith.constant 0 : i32
      %dma_wait3A_146 = arith.constant 0 : i32
      %dma_wait3A_147 = tpu.memref_slice %arg2[%select_n3A_125, %dma_wait3A_145, %dma_wait3A_146] : memref<26x25600x128xf32, #tpu.memory_space<hbm>> -> memref<1x25600x128xf32, #tpu.memory_space<hbm>>
      %dma_wait3A_148 = tpu.memref_squeeze %dma_wait3A_147 : memref<1x25600x128xf32, #tpu.memory_space<hbm>> -> memref<25600x128xf32, #tpu.memory_space<hbm>>
      %dma_wait3A_149 = arith.constant 0 : i32
      %dma_wait3A_150 = arith.constant 0 : i32
      %dma_wait3A_151 = tpu.memref_slice %dma_wait3A_148[%dma_wait3A_149, %dma_wait3A_150] : memref<25600x128xf32, #tpu.memory_space<hbm>> -> memref<25600x128xf32, #tpu.memory_space<hbm>>
      tpu.wait_indirect_dma semaphore(%arg12 : memref<!tpu.dma_semaphore, #tpu.memory_space<semaphore_mem>>) src(%dma_wait3A_151 : memref<25600x128xf32, #tpu.memory_space<hbm>>) dst(%arg9 : memref<128x128xf32, #tpu.memory_space<vmem>>)
      %mul3A_152 = arith.constant 128 : i32
      %mul3A_153 = arith.muli %select_n3A_141, %mul3A_152 : i32
      %scan3A_154 = arith.constant 0 : i32
      %scan3A_155 = arith.constant 8 : i32
      %scan3A_156 = arith.addi %scan3A_154, %scan3A_155 : i32
      %scan3A_157 = arith.constant 1 : i32
      scf.for %scan3A_166 = %scan3A_154 to %scan3A_156 step %scan3A_157  : i32 {
        %mul3A_167 = arith.constant 16 : i32
        %mul3A_168 = arith.muli %scan3A_166, %mul3A_167 : i32
        %add3A_169 = arith.constant 0 : i32
        %add3A_170 = arith.addi %add3A_169, %mul3A_168 : i32
        %get3A = arith.index_cast %select_n3A_125 : i32 to index
        %get3A_171 = arith.index_cast %select_n3A_141 : i32 to index
        %get3A_172 = arith.index_cast %add3A_170 : i32 to index
        %get3A_173 = tpu.vector_load %arg7[%get3A, %get3A_171, %get3A_172] {strides = array<i32>} : memref<26x4x128xi32, #tpu.memory_space<vmem>>, vector<1x1x16xi32>,
        %get3A_174 = vector.shape_cast %get3A_173 : vector<1x1x16xi32> to vector<16xi32>
        %slice3A = vector.extract_strided_slice %get3A_174 {offsets = [0], sizes = [1], strides = [1]} : vector<16xi32> to vector<1xi32>
        %squeeze3A = vector.extract %slice3A[0] : i32 from vector<1xi32>
        %add3A_175 = arith.addi %mul3A_153, %add3A_170 : i32
        %add3A_176 = arith.constant 0 : i32
        %add3A_177 = arith.addi %add3A_175, %add3A_176 : i32
        %add3A_178 = arith.constant 0 : i32
        %add3A_179 = arith.addi %add3A_170, %add3A_178 : i32
        %get3A_180 = arith.index_cast %add3A_179 : i32 to index
        %get3A_181 = arith.index_cast %squeeze3A : i32 to index
        %get3A_182 = tpu.vector_load %arg9[%get3A_180, %get3A_181] {strides = array<i32>} : memref<128x128xf32, #tpu.memory_space<vmem>>, vector<1x16xf32>,
        %get3A_183 = vector.shape_cast %get3A_182 : vector<1x16xf32> to vector<16xf32>
        %swap3A = arith.index_cast %add3A_177 : i32 to index
        %swap3A_184 = arith.constant 0 : index
        %swap3A_185 = tpu.vector_load %arg10[%swap3A, %swap3A_184] {strides = array<i32>} : memref<512x32xf32, #tpu.memory_space<vmem>>, vector<1x16xf32>,
        %swap3A_186 = vector.shape_cast %swap3A_185 : vector<1x16xf32> to vector<16xf32>
        %swap3A_187 = vector.shape_cast %get3A_183 : vector<16xf32> to vector<1x16xf32>
        tpu.vector_store %arg10[%swap3A, %swap3A_184], %swap3A_187 {add = true, strides = array<i32>} : memref<512x32xf32, #tpu.memory_space<vmem>>, vector<1x16xf32>,
        %add3A_188 = arith.addi %mul3A_153, %add3A_170 : i32
        %add3A_189 = arith.constant 0 : i32
        %add3A_190 = arith.addi %add3A_188, %add3A_189 : i32
        %add3A_191 = arith.constant 0 : i32
        %add3A_192 = arith.addi %add3A_170, %add3A_191 : i32
        %add3A_193 = arith.constant 16 : i32
        %add3A_194 = arith.addi %squeeze3A, %add3A_193 : i32
        %get3A_195 = arith.index_cast %add3A_192 : i32 to index
        %get3A_196 = arith.index_cast %add3A_194 : i32 to index
        %get3A_197 = tpu.vector_load %arg9[%get3A_195, %get3A_196] {strides = array<i32>} : memref<128x128xf32, #tpu.memory_space<vmem>>, vector<1x16xf32>,
        %get3A_198 = vector.shape_cast %get3A_197 : vector<1x16xf32> to vector<16xf32>
        %swap3A_199 = arith.index_cast %add3A_190 : i32 to index
        %swap3A_200 = arith.constant 16 : index
        %swap3A_201 = tpu.vector_load %arg10[%swap3A_199, %swap3A_200] {strides = array<i32>} : memref<512x32xf32, #tpu.memory_space<vmem>>, vector<1x16xf32>,
        %swap3A_202 = vector.shape_cast %swap3A_201 : vector<1x16xf32> to vector<16xf32>
        %swap3A_203 = vector.shape_cast %get3A_198 : vector<16xf32> to vector<1x16xf32>
        tpu.vector_store %arg10[%swap3A_199, %swap3A_200], %swap3A_203 {add = true, strides = array<i32>} : memref<512x32xf32, #tpu.memory_space<vmem>>, vector<1x16xf32>,
        %slice3A_204 = vector.extract_strided_slice %get3A_174 {offsets = [1], sizes = [1], strides = [1]} : vector<16xi32> to vector<1xi32>
        %squeeze3A_205 = vector.extract %slice3A_204[0] : i32 from vector<1xi32>
        %add3A_206 = arith.addi %mul3A_153, %add3A_170 : i32
        %add3A_207 = arith.constant 1 : i32
        %add3A_208 = arith.addi %add3A_206, %add3A_207 : i32
        %add3A_209 = arith.constant 1 : i32
        %add3A_210 = arith.addi %add3A_170, %add3A_209 : i32
        %get3A_211 = arith.index_cast %add3A_210 : i32 to index
        %get3A_212 = arith.index_cast %squeeze3A_205 : i32 to index
        %get3A_213 = tpu.vector_load %arg9[%get3A_211, %get3A_212] {strides = array<i32>} : memref<128x128xf32, #tpu.memory_space<vmem>>, vector<1x16xf32>,
        %get3A_214 = vector.shape_cast %get3A_213 : vector<1x16xf32> to vector<16xf32>
        %swap3A_215 = arith.index_cast %add3A_208 : i32 to index
        %swap3A_216 = arith.constant 0 : index
        %swap3A_217 = tpu.vector_load %arg10[%swap3A_215, %swap3A_216] {strides = array<i32>} : memref<512x32xf32, #tpu.memory_space<vmem>>, vector<1x16xf32>,
        %swap3A_218 = vector.shape_cast %swap3A_217 : vector<1x16xf32> to vector<16xf32>
        %swap3A_219 = vector.shape_cast %get3A_214 : vector<16xf32> to vector<1x16xf32>
        tpu.vector_store %arg10[%swap3A_215, %swap3A_216], %swap3A_219 {add = true, strides = array<i32>} : memref<512x32xf32, #tpu.memory_space<vmem>>, vector<1x16xf32>,
        %add3A_220 = arith.addi %mul3A_153, %add3A_170 : i32
        %add3A_221 = arith.constant 1 : i32
        %add3A_222 = arith.addi %add3A_220, %add3A_221 : i32
        %add3A_223 = arith.constant 1 : i32
        %add3A_224 = arith.addi %add3A_170, %add3A_223 : i32
        %add3A_225 = arith.constant 16 : i32
        %add3A_226 = arith.addi %squeeze3A_205, %add3A_225 : i32
        %get3A_227 = arith.index_cast %add3A_224 : i32 to index
        %get3A_228 = arith.index_cast %add3A_226 : i32 to index
        %get3A_229 = tpu.vector_load %arg9[%get3A_227, %get3A_228] {strides = array<i32>} : memref<128x128xf32, #tpu.memory_space<vmem>>, vector<1x16xf32>,
        %get3A_230 = vector.shape_cast %get3A_229 : vector<1x16xf32> to vector<16xf32>
        %swap3A_231 = arith.index_cast %add3A_222 : i32 to index
        %swap3A_232 = arith.constant 16 : index
        %swap3A_233 = tpu.vector_load %arg10[%swap3A_231, %swap3A_232] {strides = array<i32>} : memref<512x32xf32, #tpu.memory_space<vmem>>, vector<1x16xf32>,
        %swap3A_234 = vector.shape_cast %swap3A_233 : vector<1x16xf32> to vector<16xf32>
        %swap3A_235 = vector.shape_cast %get3A_230 : vector<16xf32> to vector<1x16xf32>
        tpu.vector_store %arg10[%swap3A_231, %swap3A_232], %swap3A_235 {add = true, strides = array<i32>} : memref<512x32xf32, #tpu.memory_space<vmem>>, vector<1x16xf32>,
        %slice3A_236 = vector.extract_strided_slice %get3A_174 {offsets = [2], sizes = [1], strides = [1]} : vector<16xi32> to vector<1xi32>
        %squeeze3A_237 = vector.extract %slice3A_236[0] : i32 from vector<1xi32>
        %add3A_238 = arith.addi %mul3A_153, %add3A_170 : i32
        %add3A_239 = arith.constant 2 : i32
        %add3A_240 = arith.addi %add3A_238, %add3A_239 : i32
        %add3A_241 = arith.constant 2 : i32
        %add3A_242 = arith.addi %add3A_170, %add3A_241 : i32
        %get3A_243 = arith.index_cast %add3A_242 : i32 to index
        %get3A_244 = arith.index_cast %squeeze3A_237 : i32 to index
        %get3A_245 = tpu.vector_load %arg9[%get3A_243, %get3A_244] {strides = array<i32>} : memref<128x128xf32, #tpu.memory_space<vmem>>, vector<1x16xf32>,
        %get3A_246 = vector.shape_cast %get3A_245 : vector<1x16xf32> to vector<16xf32>
        %swap3A_247 = arith.index_cast %add3A_240 : i32 to index
        %swap3A_248 = arith.constant 0 : index
        %swap3A_249 = tpu.vector_load %arg10[%swap3A_247, %swap3A_248] {strides = array<i32>} : memref<512x32xf32, #tpu.memory_space<vmem>>, vector<1x16xf32>,
        %swap3A_250 = vector.shape_cast %swap3A_249 : vector<1x16xf32> to vector<16xf32>
        %swap3A_251 = vector.shape_cast %get3A_246 : vector<16xf32> to vector<1x16xf32>
        tpu.vector_store %arg10[%swap3A_247, %swap3A_248], %swap3A_251 {add = true, strides = array<i32>} : memref<512x32xf32, #tpu.memory_space<vmem>>, vector<1x16xf32>,
        %add3A_252 = arith.addi %mul3A_153, %add3A_170 : i32
        %add3A_253 = arith.constant 2 : i32
        %add3A_254 = arith.addi %add3A_252, %add3A_253 : i32
        %add3A_255 = arith.constant 2 : i32
        %add3A_256 = arith.addi %add3A_170, %add3A_255 : i32
        %add3A_257 = arith.constant 16 : i32
        %add3A_258 = arith.addi %squeeze3A_237, %add3A_257 : i32
        %get3A_259 = arith.index_cast %add3A_256 : i32 to index
        %get3A_260 = arith.index_cast %add3A_258 : i32 to index
        %get3A_261 = tpu.vector_load %arg9[%get3A_259, %get3A_260] {strides = array<i32>} : memref<128x128xf32, #tpu.memory_space<vmem>>, vector<1x16xf32>,
        %get3A_262 = vector.shape_cast %get3A_261 : vector<1x16xf32> to vector<16xf32>
        %swap3A_263 = arith.index_cast %add3A_254 : i32 to index
        %swap3A_264 = arith.constant 16 : index
        %swap3A_265 = tpu.vector_load %arg10[%swap3A_263, %swap3A_264] {strides = array<i32>} : memref<512x32xf32, #tpu.memory_space<vmem>>, vector<1x16xf32>,
        %swap3A_266 = vector.shape_cast %swap3A_265 : vector<1x16xf32> to vector<16xf32>
        %swap3A_267 = vector.shape_cast %get3A_262 : vector<16xf32> to vector<1x16xf32>
        tpu.vector_store %arg10[%swap3A_263, %swap3A_264], %swap3A_267 {add = true, strides = array<i32>} : memref<512x32xf32, #tpu.memory_space<vmem>>, vector<1x16xf32>,
        %slice3A_268 = vector.extract_strided_slice %get3A_174 {offsets = [3], sizes = [1], strides = [1]} : vector<16xi32> to vector<1xi32>
        %squeeze3A_269 = vector.extract %slice3A_268[0] : i32 from vector<1xi32>
        %add3A_270 = arith.addi %mul3A_153, %add3A_170 : i32
        %add3A_271 = arith.constant 3 : i32
        %add3A_272 = arith.addi %add3A_270, %add3A_271 : i32
        %add3A_273 = arith.constant 3 : i32
        %add3A_274 = arith.addi %add3A_170, %add3A_273 : i32
        %get3A_275 = arith.index_cast %add3A_274 : i32 to index
        %get3A_276 = arith.index_cast %squeeze3A_269 : i32 to index
        %get3A_277 = tpu.vector_load %arg9[%get3A_275, %get3A_276] {strides = array<i32>} : memref<128x128xf32, #tpu.memory_space<vmem>>, vector<1x16xf32>,
        %get3A_278 = vector.shape_cast %get3A_277 : vector<1x16xf32> to vector<16xf32>
        %swap3A_279 = arith.index_cast %add3A_272 : i32 to index
        %swap3A_280 = arith.constant 0 : index
        %swap3A_281 = tpu.vector_load %arg10[%swap3A_279, %swap3A_280] {strides = array<i32>} : memref<512x32xf32, #tpu.memory_space<vmem>>, vector<1x16xf32>,
        %swap3A_282 = vector.shape_cast %swap3A_281 : vector<1x16xf32> to vector<16xf32>
        %swap3A_283 = vector.shape_cast %get3A_278 : vector<16xf32> to vector<1x16xf32>
        tpu.vector_store %arg10[%swap3A_279, %swap3A_280], %swap3A_283 {add = true, strides = array<i32>} : memref<512x32xf32, #tpu.memory_space<vmem>>, vector<1x16xf32>,
        %add3A_284 = arith.addi %mul3A_153, %add3A_170 : i32
        %add3A_285 = arith.constant 3 : i32
        %add3A_286 = arith.addi %add3A_284, %add3A_285 : i32
        %add3A_287 = arith.constant 3 : i32
        %add3A_288 = arith.addi %add3A_170, %add3A_287 : i32
        %add3A_289 = arith.constant 16 : i32
        %add3A_290 = arith.addi %squeeze3A_269, %add3A_289 : i32
        %get3A_291 = arith.index_cast %add3A_288 : i32 to index
        %get3A_292 = arith.index_cast %add3A_290 : i32 to index
        %get3A_293 = tpu.vector_load %arg9[%get3A_291, %get3A_292] {strides = array<i32>} : memref<128x128xf32, #tpu.memory_space<vmem>>, vector<1x16xf32>,
        %get3A_294 = vector.shape_cast %get3A_293 : vector<1x16xf32> to vector<16xf32>
        %swap3A_295 = arith.index_cast %add3A_286 : i32 to index
        %swap3A_296 = arith.constant 16 : index
        %swap3A_297 = tpu.vector_load %arg10[%swap3A_295, %swap3A_296] {strides = array<i32>} : memref<512x32xf32, #tpu.memory_space<vmem>>, vector<1x16xf32>,
        %swap3A_298 = vector.shape_cast %swap3A_297 : vector<1x16xf32> to vector<16xf32>
        %swap3A_299 = vector.shape_cast %get3A_294 : vector<16xf32> to vector<1x16xf32>
        tpu.vector_store %arg10[%swap3A_295, %swap3A_296], %swap3A_299 {add = true, strides = array<i32>} : memref<512x32xf32, #tpu.memory_space<vmem>>, vector<1x16xf32>,
        %slice3A_300 = vector.extract_strided_slice %get3A_174 {offsets = [4], sizes = [1], strides = [1]} : vector<16xi32> to vector<1xi32>
        %squeeze3A_301 = vector.extract %slice3A_300[0] : i32 from vector<1xi32>
        %add3A_302 = arith.addi %mul3A_153, %add3A_170 : i32
        %add3A_303 = arith.constant 4 : i32
        %add3A_304 = arith.addi %add3A_302, %add3A_303 : i32
        %add3A_305 = arith.constant 4 : i32
        %add3A_306 = arith.addi %add3A_170, %add3A_305 : i32
        %get3A_307 = arith.index_cast %add3A_306 : i32 to index
        %get3A_308 = arith.index_cast %squeeze3A_301 : i32 to index
        %get3A_309 = tpu.vector_load %arg9[%get3A_307, %get3A_308] {strides = array<i32>} : memref<128x128xf32, #tpu.memory_space<vmem>>, vector<1x16xf32>,
        %get3A_310 = vector.shape_cast %get3A_309 : vector<1x16xf32> to vector<16xf32>
        %swap3A_311 = arith.index_cast %add3A_304 : i32 to index
        %swap3A_312 = arith.constant 0 : index
        %swap3A_313 = tpu.vector_load %arg10[%swap3A_311, %swap3A_312] {strides = array<i32>} : memref<512x32xf32, #tpu.memory_space<vmem>>, vector<1x16xf32>,
        %swap3A_314 = vector.shape_cast %swap3A_313 : vector<1x16xf32> to vector<16xf32>
        %swap3A_315 = vector.shape_cast %get3A_310 : vector<16xf32> to vector<1x16xf32>
        tpu.vector_store %arg10[%swap3A_311, %swap3A_312], %swap3A_315 {add = true, strides = array<i32>} : memref<512x32xf32, #tpu.memory_space<vmem>>, vector<1x16xf32>,
        %add3A_316 = arith.addi %mul3A_153, %add3A_170 : i32
        %add3A_317 = arith.constant 4 : i32
        %add3A_318 = arith.addi %add3A_316, %add3A_317 : i32
        %add3A_319 = arith.constant 4 : i32
        %add3A_320 = arith.addi %add3A_170, %add3A_319 : i32
        %add3A_321 = arith.constant 16 : i32
        %add3A_322 = arith.addi %squeeze3A_301, %add3A_321 : i32
        %get3A_323 = arith.index_cast %add3A_320 : i32 to index
        %get3A_324 = arith.index_cast %add3A_322 : i32 to index
        %get3A_325 = tpu.vector_load %arg9[%get3A_323, %get3A_324] {strides = array<i32>} : memref<128x128xf32, #tpu.memory_space<vmem>>, vector<1x16xf32>,
        %get3A_326 = vector.shape_cast %get3A_325 : vector<1x16xf32> to vector<16xf32>
        %swap3A_327 = arith.index_cast %add3A_318 : i32 to index
        %swap3A_328 = arith.constant 16 : index
        %swap3A_329 = tpu.vector_load %arg10[%swap3A_327, %swap3A_328] {strides = array<i32>} : memref<512x32xf32, #tpu.memory_space<vmem>>, vector<1x16xf32>,
        %swap3A_330 = vector.shape_cast %swap3A_329 : vector<1x16xf32> to vector<16xf32>
        %swap3A_331 = vector.shape_cast %get3A_326 : vector<16xf32> to vector<1x16xf32>
        tpu.vector_store %arg10[%swap3A_327, %swap3A_328], %swap3A_331 {add = true, strides = array<i32>} : memref<512x32xf32, #tpu.memory_space<vmem>>, vector<1x16xf32>,
        %slice3A_332 = vector.extract_strided_slice %get3A_174 {offsets = [5], sizes = [1], strides = [1]} : vector<16xi32> to vector<1xi32>
        %squeeze3A_333 = vector.extract %slice3A_332[0] : i32 from vector<1xi32>
        %add3A_334 = arith.addi %mul3A_153, %add3A_170 : i32
        %add3A_335 = arith.constant 5 : i32
        %add3A_336 = arith.addi %add3A_334, %add3A_335 : i32
        %add3A_337 = arith.constant 5 : i32
        %add3A_338 = arith.addi %add3A_170, %add3A_337 : i32
        %get3A_339 = arith.index_cast %add3A_338 : i32 to index
        %get3A_340 = arith.index_cast %squeeze3A_333 : i32 to index
        %get3A_341 = tpu.vector_load %arg9[%get3A_339, %get3A_340] {strides = array<i32>} : memref<128x128xf32, #tpu.memory_space<vmem>>, vector<1x16xf32>,
        %get3A_342 = vector.shape_cast %get3A_341 : vector<1x16xf32> to vector<16xf32>
        %swap3A_343 = arith.index_cast %add3A_336 : i32 to index
        %swap3A_344 = arith.constant 0 : index
        %swap3A_345 = tpu.vector_load %arg10[%swap3A_343, %swap3A_344] {strides = array<i32>} : memref<512x32xf32, #tpu.memory_space<vmem>>, vector<1x16xf32>,
        %swap3A_346 = vector.shape_cast %swap3A_345 : vector<1x16xf32> to vector<16xf32>
        %swap3A_347 = vector.shape_cast %get3A_342 : vector<16xf32> to vector<1x16xf32>
        tpu.vector_store %arg10[%swap3A_343, %swap3A_344], %swap3A_347 {add = true, strides = array<i32>} : memref<512x32xf32, #tpu.memory_space<vmem>>, vector<1x16xf32>,
        %add3A_348 = arith.addi %mul3A_153, %add3A_170 : i32
        %add3A_349 = arith.constant 5 : i32
        %add3A_350 = arith.addi %add3A_348, %add3A_349 : i32
        %add3A_351 = arith.constant 5 : i32
        %add3A_352 = arith.addi %add3A_170, %add3A_351 : i32
        %add3A_353 = arith.constant 16 : i32
        %add3A_354 = arith.addi %squeeze3A_333, %add3A_353 : i32
        %get3A_355 = arith.index_cast %add3A_352 : i32 to index
        %get3A_356 = arith.index_cast %add3A_354 : i32 to index
        %get3A_357 = tpu.vector_load %arg9[%get3A_355, %get3A_356] {strides = array<i32>} : memref<128x128xf32, #tpu.memory_space<vmem>>, vector<1x16xf32>,
        %get3A_358 = vector.shape_cast %get3A_357 : vector<1x16xf32> to vector<16xf32>
        %swap3A_359 = arith.index_cast %add3A_350 : i32 to index
        %swap3A_360 = arith.constant 16 : index
        %swap3A_361 = tpu.vector_load %arg10[%swap3A_359, %swap3A_360] {strides = array<i32>} : memref<512x32xf32, #tpu.memory_space<vmem>>, vector<1x16xf32>,
        %swap3A_362 = vector.shape_cast %swap3A_361 : vector<1x16xf32> to vector<16xf32>
        %swap3A_363 = vector.shape_cast %get3A_358 : vector<16xf32> to vector<1x16xf32>
        tpu.vector_store %arg10[%swap3A_359, %swap3A_360], %swap3A_363 {add = true, strides = array<i32>} : memref<512x32xf32, #tpu.memory_space<vmem>>, vector<1x16xf32>,
        %slice3A_364 = vector.extract_strided_slice %get3A_174 {offsets = [6], sizes = [1], strides = [1]} : vector<16xi32> to vector<1xi32>
        %squeeze3A_365 = vector.extract %slice3A_364[0] : i32 from vector<1xi32>
        %add3A_366 = arith.addi %mul3A_153, %add3A_170 : i32
        %add3A_367 = arith.constant 6 : i32
        %add3A_368 = arith.addi %add3A_366, %add3A_367 : i32
        %add3A_369 = arith.constant 6 : i32
        %add3A_370 = arith.addi %add3A_170, %add3A_369 : i32
        %get3A_371 = arith.index_cast %add3A_370 : i32 to index
        %get3A_372 = arith.index_cast %squeeze3A_365 : i32 to index
        %get3A_373 = tpu.vector_load %arg9[%get3A_371, %get3A_372] {strides = array<i32>} : memref<128x128xf32, #tpu.memory_space<vmem>>, vector<1x16xf32>,
        %get3A_374 = vector.shape_cast %get3A_373 : vector<1x16xf32> to vector<16xf32>
        %swap3A_375 = arith.index_cast %add3A_368 : i32 to index
        %swap3A_376 = arith.constant 0 : index
        %swap3A_377 = tpu.vector_load %arg10[%swap3A_375, %swap3A_376] {strides = array<i32>} : memref<512x32xf32, #tpu.memory_space<vmem>>, vector<1x16xf32>,
        %swap3A_378 = vector.shape_cast %swap3A_377 : vector<1x16xf32> to vector<16xf32>
        %swap3A_379 = vector.shape_cast %get3A_374 : vector<16xf32> to vector<1x16xf32>
        tpu.vector_store %arg10[%swap3A_375, %swap3A_376], %swap3A_379 {add = true, strides = array<i32>} : memref<512x32xf32, #tpu.memory_space<vmem>>, vector<1x16xf32>,
        %add3A_380 = arith.addi %mul3A_153, %add3A_170 : i32
        %add3A_381 = arith.constant 6 : i32
        %add3A_382 = arith.addi %add3A_380, %add3A_381 : i32
        %add3A_383 = arith.constant 6 : i32
        %add3A_384 = arith.addi %add3A_170, %add3A_383 : i32
        %add3A_385 = arith.constant 16 : i32
        %add3A_386 = arith.addi %squeeze3A_365, %add3A_385 : i32
        %get3A_387 = arith.index_cast %add3A_384 : i32 to index
        %get3A_388 = arith.index_cast %add3A_386 : i32 to index
        %get3A_389 = tpu.vector_load %arg9[%get3A_387, %get3A_388] {strides = array<i32>} : memref<128x128xf32, #tpu.memory_space<vmem>>, vector<1x16xf32>,
        %get3A_390 = vector.shape_cast %get3A_389 : vector<1x16xf32> to vector<16xf32>
        %swap3A_391 = arith.index_cast %add3A_382 : i32 to index
        %swap3A_392 = arith.constant 16 : index
        %swap3A_393 = tpu.vector_load %arg10[%swap3A_391, %swap3A_392] {strides = array<i32>} : memref<512x32xf32, #tpu.memory_space<vmem>>, vector<1x16xf32>,
        %swap3A_394 = vector.shape_cast %swap3A_393 : vector<1x16xf32> to vector<16xf32>
        %swap3A_395 = vector.shape_cast %get3A_390 : vector<16xf32> to vector<1x16xf32>
        tpu.vector_store %arg10[%swap3A_391, %swap3A_392], %swap3A_395 {add = true, strides = array<i32>} : memref<512x32xf32, #tpu.memory_space<vmem>>, vector<1x16xf32>,
        %slice3A_396 = vector.extract_strided_slice %get3A_174 {offsets = [7], sizes = [1], strides = [1]} : vector<16xi32> to vector<1xi32>
        %squeeze3A_397 = vector.extract %slice3A_396[0] : i32 from vector<1xi32>
        %add3A_398 = arith.addi %mul3A_153, %add3A_170 : i32
        %add3A_399 = arith.constant 7 : i32
        %add3A_400 = arith.addi %add3A_398, %add3A_399 : i32
        %add3A_401 = arith.constant 7 : i32
        %add3A_402 = arith.addi %add3A_170, %add3A_401 : i32
        %get3A_403 = arith.index_cast %add3A_402 : i32 to index
        %get3A_404 = arith.index_cast %squeeze3A_397 : i32 to index
        %get3A_405 = tpu.vector_load %arg9[%get3A_403, %get3A_404] {strides = array<i32>} : memref<128x128xf32, #tpu.memory_space<vmem>>, vector<1x16xf32>,
        %get3A_406 = vector.shape_cast %get3A_405 : vector<1x16xf32> to vector<16xf32>
        %swap3A_407 = arith.index_cast %add3A_400 : i32 to index
        %swap3A_408 = arith.constant 0 : index
        %swap3A_409 = tpu.vector_load %arg10[%swap3A_407, %swap3A_408] {strides = array<i32>} : memref<512x32xf32, #tpu.memory_space<vmem>>, vector<1x16xf32>,
        %swap3A_410 = vector.shape_cast %swap3A_409 : vector<1x16xf32> to vector<16xf32>
        %swap3A_411 = vector.shape_cast %get3A_406 : vector<16xf32> to vector<1x16xf32>
        tpu.vector_store %arg10[%swap3A_407, %swap3A_408], %swap3A_411 {add = true, strides = array<i32>} : memref<512x32xf32, #tpu.memory_space<vmem>>, vector<1x16xf32>,
        %add3A_412 = arith.addi %mul3A_153, %add3A_170 : i32
        %add3A_413 = arith.constant 7 : i32
        %add3A_414 = arith.addi %add3A_412, %add3A_413 : i32
        %add3A_415 = arith.constant 7 : i32
        %add3A_416 = arith.addi %add3A_170, %add3A_415 : i32
        %add3A_417 = arith.constant 16 : i32
        %add3A_418 = arith.addi %squeeze3A_397, %add3A_417 : i32
        %get3A_419 = arith.index_cast %add3A_416 : i32 to index
        %get3A_420 = arith.index_cast %add3A_418 : i32 to index
        %get3A_421 = tpu.vector_load %arg9[%get3A_419, %get3A_420] {strides = array<i32>} : memref<128x128xf32, #tpu.memory_space<vmem>>, vector<1x16xf32>,
        %get3A_422 = vector.shape_cast %get3A_421 : vector<1x16xf32> to vector<16xf32>
        %swap3A_423 = arith.index_cast %add3A_414 : i32 to index
        %swap3A_424 = arith.constant 16 : index
        %swap3A_425 = tpu.vector_load %arg10[%swap3A_423, %swap3A_424] {strides = array<i32>} : memref<512x32xf32, #tpu.memory_space<vmem>>, vector<1x16xf32>,
        %swap3A_426 = vector.shape_cast %swap3A_425 : vector<1x16xf32> to vector<16xf32>
        %swap3A_427 = vector.shape_cast %get3A_422 : vector<16xf32> to vector<1x16xf32>
        tpu.vector_store %arg10[%swap3A_423, %swap3A_424], %swap3A_427 {add = true, strides = array<i32>} : memref<512x32xf32, #tpu.memory_space<vmem>>, vector<1x16xf32>,
        %slice3A_428 = vector.extract_strided_slice %get3A_174 {offsets = [8], sizes = [1], strides = [1]} : vector<16xi32> to vector<1xi32>
        %squeeze3A_429 = vector.extract %slice3A_428[0] : i32 from vector<1xi32>
        %add3A_430 = arith.addi %mul3A_153, %add3A_170 : i32
        %add3A_431 = arith.constant 8 : i32
        %add3A_432 = arith.addi %add3A_430, %add3A_431 : i32
        %add3A_433 = arith.constant 8 : i32
        %add3A_434 = arith.addi %add3A_170, %add3A_433 : i32
        %get3A_435 = arith.index_cast %add3A_434 : i32 to index
        %get3A_436 = arith.index_cast %squeeze3A_429 : i32 to index
        %get3A_437 = tpu.vector_load %arg9[%get3A_435, %get3A_436] {strides = array<i32>} : memref<128x128xf32, #tpu.memory_space<vmem>>, vector<1x16xf32>,
        %get3A_438 = vector.shape_cast %get3A_437 : vector<1x16xf32> to vector<16xf32>
        %swap3A_439 = arith.index_cast %add3A_432 : i32 to index
        %swap3A_440 = arith.constant 0 : index
        %swap3A_441 = tpu.vector_load %arg10[%swap3A_439, %swap3A_440] {strides = array<i32>} : memref<512x32xf32, #tpu.memory_space<vmem>>, vector<1x16xf32>,
        %swap3A_442 = vector.shape_cast %swap3A_441 : vector<1x16xf32> to vector<16xf32>
        %swap3A_443 = vector.shape_cast %get3A_438 : vector<16xf32> to vector<1x16xf32>
        tpu.vector_store %arg10[%swap3A_439, %swap3A_440], %swap3A_443 {add = true, strides = array<i32>} : memref<512x32xf32, #tpu.memory_space<vmem>>, vector<1x16xf32>,
        %add3A_444 = arith.addi %mul3A_153, %add3A_170 : i32
        %add3A_445 = arith.constant 8 : i32
        %add3A_446 = arith.addi %add3A_444, %add3A_445 : i32
        %add3A_447 = arith.constant 8 : i32
        %add3A_448 = arith.addi %add3A_170, %add3A_447 : i32
        %add3A_449 = arith.constant 16 : i32
        %add3A_450 = arith.addi %squeeze3A_429, %add3A_449 : i32
        %get3A_451 = arith.index_cast %add3A_448 : i32 to index
        %get3A_452 = arith.index_cast %add3A_450 : i32 to index
        %get3A_453 = tpu.vector_load %arg9[%get3A_451, %get3A_452] {strides = array<i32>} : memref<128x128xf32, #tpu.memory_space<vmem>>, vector<1x16xf32>,
        %get3A_454 = vector.shape_cast %get3A_453 : vector<1x16xf32> to vector<16xf32>
        %swap3A_455 = arith.index_cast %add3A_446 : i32 to index
        %swap3A_456 = arith.constant 16 : index
        %swap3A_457 = tpu.vector_load %arg10[%swap3A_455, %swap3A_456] {strides = array<i32>} : memref<512x32xf32, #tpu.memory_space<vmem>>, vector<1x16xf32>,
        %swap3A_458 = vector.shape_cast %swap3A_457 : vector<1x16xf32> to vector<16xf32>
        %swap3A_459 = vector.shape_cast %get3A_454 : vector<16xf32> to vector<1x16xf32>
        tpu.vector_store %arg10[%swap3A_455, %swap3A_456], %swap3A_459 {add = true, strides = array<i32>} : memref<512x32xf32, #tpu.memory_space<vmem>>, vector<1x16xf32>,
        %slice3A_460 = vector.extract_strided_slice %get3A_174 {offsets = [9], sizes = [1], strides = [1]} : vector<16xi32> to vector<1xi32>
        %squeeze3A_461 = vector.extract %slice3A_460[0] : i32 from vector<1xi32>
        %add3A_462 = arith.addi %mul3A_153, %add3A_170 : i32
        %add3A_463 = arith.constant 9 : i32
        %add3A_464 = arith.addi %add3A_462, %add3A_463 : i32
        %add3A_465 = arith.constant 9 : i32
        %add3A_466 = arith.addi %add3A_170, %add3A_465 : i32
        %get3A_467 = arith.index_cast %add3A_466 : i32 to index
        %get3A_468 = arith.index_cast %squeeze3A_461 : i32 to index
        %get3A_469 = tpu.vector_load %arg9[%get3A_467, %get3A_468] {strides = array<i32>} : memref<128x128xf32, #tpu.memory_space<vmem>>, vector<1x16xf32>,
        %get3A_470 = vector.shape_cast %get3A_469 : vector<1x16xf32> to vector<16xf32>
        %swap3A_471 = arith.index_cast %add3A_464 : i32 to index
        %swap3A_472 = arith.constant 0 : index
        %swap3A_473 = tpu.vector_load %arg10[%swap3A_471, %swap3A_472] {strides = array<i32>} : memref<512x32xf32, #tpu.memory_space<vmem>>, vector<1x16xf32>,
        %swap3A_474 = vector.shape_cast %swap3A_473 : vector<1x16xf32> to vector<16xf32>
        %swap3A_475 = vector.shape_cast %get3A_470 : vector<16xf32> to vector<1x16xf32>
        tpu.vector_store %arg10[%swap3A_471, %swap3A_472], %swap3A_475 {add = true, strides = array<i32>} : memref<512x32xf32, #tpu.memory_space<vmem>>, vector<1x16xf32>,
        %add3A_476 = arith.addi %mul3A_153, %add3A_170 : i32
        %add3A_477 = arith.constant 9 : i32
        %add3A_478 = arith.addi %add3A_476, %add3A_477 : i32
        %add3A_479 = arith.constant 9 : i32
        %add3A_480 = arith.addi %add3A_170, %add3A_479 : i32
        %add3A_481 = arith.constant 16 : i32
        %add3A_482 = arith.addi %squeeze3A_461, %add3A_481 : i32
        %get3A_483 = arith.index_cast %add3A_480 : i32 to index
        %get3A_484 = arith.index_cast %add3A_482 : i32 to index
        %get3A_485 = tpu.vector_load %arg9[%get3A_483, %get3A_484] {strides = array<i32>} : memref<128x128xf32, #tpu.memory_space<vmem>>, vector<1x16xf32>,
        %get3A_486 = vector.shape_cast %get3A_485 : vector<1x16xf32> to vector<16xf32>
        %swap3A_487 = arith.index_cast %add3A_478 : i32 to index
        %swap3A_488 = arith.constant 16 : index
        %swap3A_489 = tpu.vector_load %arg10[%swap3A_487, %swap3A_488] {strides = array<i32>} : memref<512x32xf32, #tpu.memory_space<vmem>>, vector<1x16xf32>,
        %swap3A_490 = vector.shape_cast %swap3A_489 : vector<1x16xf32> to vector<16xf32>
        %swap3A_491 = vector.shape_cast %get3A_486 : vector<16xf32> to vector<1x16xf32>
        tpu.vector_store %arg10[%swap3A_487, %swap3A_488], %swap3A_491 {add = true, strides = array<i32>} : memref<512x32xf32, #tpu.memory_space<vmem>>, vector<1x16xf32>,
        %slice3A_492 = vector.extract_strided_slice %get3A_174 {offsets = [10], sizes = [1], strides = [1]} : vector<16xi32> to vector<1xi32>
        %squeeze3A_493 = vector.extract %slice3A_492[0] : i32 from vector<1xi32>
        %add3A_494 = arith.addi %mul3A_153, %add3A_170 : i32
        %add3A_495 = arith.constant 10 : i32
        %add3A_496 = arith.addi %add3A_494, %add3A_495 : i32
        %add3A_497 = arith.constant 10 : i32
        %add3A_498 = arith.addi %add3A_170, %add3A_497 : i32
        %get3A_499 = arith.index_cast %add3A_498 : i32 to index
        %get3A_500 = arith.index_cast %squeeze3A_493 : i32 to index
        %get3A_501 = tpu.vector_load %arg9[%get3A_499, %get3A_500] {strides = array<i32>} : memref<128x128xf32, #tpu.memory_space<vmem>>, vector<1x16xf32>,
        %get3A_502 = vector.shape_cast %get3A_501 : vector<1x16xf32> to vector<16xf32>
        %swap3A_503 = arith.index_cast %add3A_496 : i32 to index
        %swap3A_504 = arith.constant 0 : index
        %swap3A_505 = tpu.vector_load %arg10[%swap3A_503, %swap3A_504] {strides = array<i32>} : memref<512x32xf32, #tpu.memory_space<vmem>>, vector<1x16xf32>,
        %swap3A_506 = vector.shape_cast %swap3A_505 : vector<1x16xf32> to vector<16xf32>
        %swap3A_507 = vector.shape_cast %get3A_502 : vector<16xf32> to vector<1x16xf32>
        tpu.vector_store %arg10[%swap3A_503, %swap3A_504], %swap3A_507 {add = true, strides = array<i32>} : memref<512x32xf32, #tpu.memory_space<vmem>>, vector<1x16xf32>,
        %add3A_508 = arith.addi %mul3A_153, %add3A_170 : i32
        %add3A_509 = arith.constant 10 : i32
        %add3A_510 = arith.addi %add3A_508, %add3A_509 : i32
        %add3A_511 = arith.constant 10 : i32
        %add3A_512 = arith.addi %add3A_170, %add3A_511 : i32
        %add3A_513 = arith.constant 16 : i32
        %add3A_514 = arith.addi %squeeze3A_493, %add3A_513 : i32
        %get3A_515 = arith.index_cast %add3A_512 : i32 to index
        %get3A_516 = arith.index_cast %add3A_514 : i32 to index
        %get3A_517 = tpu.vector_load %arg9[%get3A_515, %get3A_516] {strides = array<i32>} : memref<128x128xf32, #tpu.memory_space<vmem>>, vector<1x16xf32>,
        %get3A_518 = vector.shape_cast %get3A_517 : vector<1x16xf32> to vector<16xf32>
        %swap3A_519 = arith.index_cast %add3A_510 : i32 to index
        %swap3A_520 = arith.constant 16 : index
        %swap3A_521 = tpu.vector_load %arg10[%swap3A_519, %swap3A_520] {strides = array<i32>} : memref<512x32xf32, #tpu.memory_space<vmem>>, vector<1x16xf32>,
        %swap3A_522 = vector.shape_cast %swap3A_521 : vector<1x16xf32> to vector<16xf32>
        %swap3A_523 = vector.shape_cast %get3A_518 : vector<16xf32> to vector<1x16xf32>
        tpu.vector_store %arg10[%swap3A_519, %swap3A_520], %swap3A_523 {add = true, strides = array<i32>} : memref<512x32xf32, #tpu.memory_space<vmem>>, vector<1x16xf32>,
        %slice3A_524 = vector.extract_strided_slice %get3A_174 {offsets = [11], sizes = [1], strides = [1]} : vector<16xi32> to vector<1xi32>
        %squeeze3A_525 = vector.extract %slice3A_524[0] : i32 from vector<1xi32>
        %add3A_526 = arith.addi %mul3A_153, %add3A_170 : i32
        %add3A_527 = arith.constant 11 : i32
        %add3A_528 = arith.addi %add3A_526, %add3A_527 : i32
        %add3A_529 = arith.constant 11 : i32
        %add3A_530 = arith.addi %add3A_170, %add3A_529 : i32
        %get3A_531 = arith.index_cast %add3A_530 : i32 to index
        %get3A_532 = arith.index_cast %squeeze3A_525 : i32 to index
        %get3A_533 = tpu.vector_load %arg9[%get3A_531, %get3A_532] {strides = array<i32>} : memref<128x128xf32, #tpu.memory_space<vmem>>, vector<1x16xf32>,
        %get3A_534 = vector.shape_cast %get3A_533 : vector<1x16xf32> to vector<16xf32>
        %swap3A_535 = arith.index_cast %add3A_528 : i32 to index
        %swap3A_536 = arith.constant 0 : index
        %swap3A_537 = tpu.vector_load %arg10[%swap3A_535, %swap3A_536] {strides = array<i32>} : memref<512x32xf32, #tpu.memory_space<vmem>>, vector<1x16xf32>,
        %swap3A_538 = vector.shape_cast %swap3A_537 : vector<1x16xf32> to vector<16xf32>
        %swap3A_539 = vector.shape_cast %get3A_534 : vector<16xf32> to vector<1x16xf32>
        tpu.vector_store %arg10[%swap3A_535, %swap3A_536], %swap3A_539 {add = true, strides = array<i32>} : memref<512x32xf32, #tpu.memory_space<vmem>>, vector<1x16xf32>,
        %add3A_540 = arith.addi %mul3A_153, %add3A_170 : i32
        %add3A_541 = arith.constant 11 : i32
        %add3A_542 = arith.addi %add3A_540, %add3A_541 : i32
        %add3A_543 = arith.constant 11 : i32
        %add3A_544 = arith.addi %add3A_170, %add3A_543 : i32
        %add3A_545 = arith.constant 16 : i32
        %add3A_546 = arith.addi %squeeze3A_525, %add3A_545 : i32
        %get3A_547 = arith.index_cast %add3A_544 : i32 to index
        %get3A_548 = arith.index_cast %add3A_546 : i32 to index
        %get3A_549 = tpu.vector_load %arg9[%get3A_547, %get3A_548] {strides = array<i32>} : memref<128x128xf32, #tpu.memory_space<vmem>>, vector<1x16xf32>,
        %get3A_550 = vector.shape_cast %get3A_549 : vector<1x16xf32> to vector<16xf32>
        %swap3A_551 = arith.index_cast %add3A_542 : i32 to index
        %swap3A_552 = arith.constant 16 : index
        %swap3A_553 = tpu.vector_load %arg10[%swap3A_551, %swap3A_552] {strides = array<i32>} : memref<512x32xf32, #tpu.memory_space<vmem>>, vector<1x16xf32>,
        %swap3A_554 = vector.shape_cast %swap3A_553 : vector<1x16xf32> to vector<16xf32>
        %swap3A_555 = vector.shape_cast %get3A_550 : vector<16xf32> to vector<1x16xf32>
        tpu.vector_store %arg10[%swap3A_551, %swap3A_552], %swap3A_555 {add = true, strides = array<i32>} : memref<512x32xf32, #tpu.memory_space<vmem>>, vector<1x16xf32>,
        %slice3A_556 = vector.extract_strided_slice %get3A_174 {offsets = [12], sizes = [1], strides = [1]} : vector<16xi32> to vector<1xi32>
        %squeeze3A_557 = vector.extract %slice3A_556[0] : i32 from vector<1xi32>
        %add3A_558 = arith.addi %mul3A_153, %add3A_170 : i32
        %add3A_559 = arith.constant 12 : i32
        %add3A_560 = arith.addi %add3A_558, %add3A_559 : i32
        %add3A_561 = arith.constant 12 : i32
        %add3A_562 = arith.addi %add3A_170, %add3A_561 : i32
        %get3A_563 = arith.index_cast %add3A_562 : i32 to index
        %get3A_564 = arith.index_cast %squeeze3A_557 : i32 to index
        %get3A_565 = tpu.vector_load %arg9[%get3A_563, %get3A_564] {strides = array<i32>} : memref<128x128xf32, #tpu.memory_space<vmem>>, vector<1x16xf32>,
        %get3A_566 = vector.shape_cast %get3A_565 : vector<1x16xf32> to vector<16xf32>
        %swap3A_567 = arith.index_cast %add3A_560 : i32 to index
        %swap3A_568 = arith.constant 0 : index
        %swap3A_569 = tpu.vector_load %arg10[%swap3A_567, %swap3A_568] {strides = array<i32>} : memref<512x32xf32, #tpu.memory_space<vmem>>, vector<1x16xf32>,
        %swap3A_570 = vector.shape_cast %swap3A_569 : vector<1x16xf32> to vector<16xf32>
        %swap3A_571 = vector.shape_cast %get3A_566 : vector<16xf32> to vector<1x16xf32>
        tpu.vector_store %arg10[%swap3A_567, %swap3A_568], %swap3A_571 {add = true, strides = array<i32>} : memref<512x32xf32, #tpu.memory_space<vmem>>, vector<1x16xf32>,
        %add3A_572 = arith.addi %mul3A_153, %add3A_170 : i32
        %add3A_573 = arith.constant 12 : i32
        %add3A_574 = arith.addi %add3A_572, %add3A_573 : i32
        %add3A_575 = arith.constant 12 : i32
        %add3A_576 = arith.addi %add3A_170, %add3A_575 : i32
        %add3A_577 = arith.constant 16 : i32
        %add3A_578 = arith.addi %squeeze3A_557, %add3A_577 : i32
        %get3A_579 = arith.index_cast %add3A_576 : i32 to index
        %get3A_580 = arith.index_cast %add3A_578 : i32 to index
        %get3A_581 = tpu.vector_load %arg9[%get3A_579, %get3A_580] {strides = array<i32>} : memref<128x128xf32, #tpu.memory_space<vmem>>, vector<1x16xf32>,
        %get3A_582 = vector.shape_cast %get3A_581 : vector<1x16xf32> to vector<16xf32>
        %swap3A_583 = arith.index_cast %add3A_574 : i32 to index
        %swap3A_584 = arith.constant 16 : index
        %swap3A_585 = tpu.vector_load %arg10[%swap3A_583, %swap3A_584] {strides = array<i32>} : memref<512x32xf32, #tpu.memory_space<vmem>>, vector<1x16xf32>,
        %swap3A_586 = vector.shape_cast %swap3A_585 : vector<1x16xf32> to vector<16xf32>
        %swap3A_587 = vector.shape_cast %get3A_582 : vector<16xf32> to vector<1x16xf32>
        tpu.vector_store %arg10[%swap3A_583, %swap3A_584], %swap3A_587 {add = true, strides = array<i32>} : memref<512x32xf32, #tpu.memory_space<vmem>>, vector<1x16xf32>,
        %slice3A_588 = vector.extract_strided_slice %get3A_174 {offsets = [13], sizes = [1], strides = [1]} : vector<16xi32> to vector<1xi32>
        %squeeze3A_589 = vector.extract %slice3A_588[0] : i32 from vector<1xi32>
        %add3A_590 = arith.addi %mul3A_153, %add3A_170 : i32
        %add3A_591 = arith.constant 13 : i32
        %add3A_592 = arith.addi %add3A_590, %add3A_591 : i32
        %add3A_593 = arith.constant 13 : i32
        %add3A_594 = arith.addi %add3A_170, %add3A_593 : i32
        %get3A_595 = arith.index_cast %add3A_594 : i32 to index
        %get3A_596 = arith.index_cast %squeeze3A_589 : i32 to index
        %get3A_597 = tpu.vector_load %arg9[%get3A_595, %get3A_596] {strides = array<i32>} : memref<128x128xf32, #tpu.memory_space<vmem>>, vector<1x16xf32>,
        %get3A_598 = vector.shape_cast %get3A_597 : vector<1x16xf32> to vector<16xf32>
        %swap3A_599 = arith.index_cast %add3A_592 : i32 to index
        %swap3A_600 = arith.constant 0 : index
        %swap3A_601 = tpu.vector_load %arg10[%swap3A_599, %swap3A_600] {strides = array<i32>} : memref<512x32xf32, #tpu.memory_space<vmem>>, vector<1x16xf32>,
        %swap3A_602 = vector.shape_cast %swap3A_601 : vector<1x16xf32> to vector<16xf32>
        %swap3A_603 = vector.shape_cast %get3A_598 : vector<16xf32> to vector<1x16xf32>
        tpu.vector_store %arg10[%swap3A_599, %swap3A_600], %swap3A_603 {add = true, strides = array<i32>} : memref<512x32xf32, #tpu.memory_space<vmem>>, vector<1x16xf32>,
        %add3A_604 = arith.addi %mul3A_153, %add3A_170 : i32
        %add3A_605 = arith.constant 13 : i32
        %add3A_606 = arith.addi %add3A_604, %add3A_605 : i32
        %add3A_607 = arith.constant 13 : i32
        %add3A_608 = arith.addi %add3A_170, %add3A_607 : i32
        %add3A_609 = arith.constant 16 : i32
        %add3A_610 = arith.addi %squeeze3A_589, %add3A_609 : i32
        %get3A_611 = arith.index_cast %add3A_608 : i32 to index
        %get3A_612 = arith.index_cast %add3A_610 : i32 to index
        %get3A_613 = tpu.vector_load %arg9[%get3A_611, %get3A_612] {strides = array<i32>} : memref<128x128xf32, #tpu.memory_space<vmem>>, vector<1x16xf32>,
        %get3A_614 = vector.shape_cast %get3A_613 : vector<1x16xf32> to vector<16xf32>
        %swap3A_615 = arith.index_cast %add3A_606 : i32 to index
        %swap3A_616 = arith.constant 16 : index
        %swap3A_617 = tpu.vector_load %arg10[%swap3A_615, %swap3A_616] {strides = array<i32>} : memref<512x32xf32, #tpu.memory_space<vmem>>, vector<1x16xf32>,
        %swap3A_618 = vector.shape_cast %swap3A_617 : vector<1x16xf32> to vector<16xf32>
        %swap3A_619 = vector.shape_cast %get3A_614 : vector<16xf32> to vector<1x16xf32>
        tpu.vector_store %arg10[%swap3A_615, %swap3A_616], %swap3A_619 {add = true, strides = array<i32>} : memref<512x32xf32, #tpu.memory_space<vmem>>, vector<1x16xf32>,
        %slice3A_620 = vector.extract_strided_slice %get3A_174 {offsets = [14], sizes = [1], strides = [1]} : vector<16xi32> to vector<1xi32>
        %squeeze3A_621 = vector.extract %slice3A_620[0] : i32 from vector<1xi32>
        %add3A_622 = arith.addi %mul3A_153, %add3A_170 : i32
        %add3A_623 = arith.constant 14 : i32
        %add3A_624 = arith.addi %add3A_622, %add3A_623 : i32
        %add3A_625 = arith.constant 14 : i32
        %add3A_626 = arith.addi %add3A_170, %add3A_625 : i32
        %get3A_627 = arith.index_cast %add3A_626 : i32 to index
        %get3A_628 = arith.index_cast %squeeze3A_621 : i32 to index
        %get3A_629 = tpu.vector_load %arg9[%get3A_627, %get3A_628] {strides = array<i32>} : memref<128x128xf32, #tpu.memory_space<vmem>>, vector<1x16xf32>,
        %get3A_630 = vector.shape_cast %get3A_629 : vector<1x16xf32> to vector<16xf32>
        %swap3A_631 = arith.index_cast %add3A_624 : i32 to index
        %swap3A_632 = arith.constant 0 : index
        %swap3A_633 = tpu.vector_load %arg10[%swap3A_631, %swap3A_632] {strides = array<i32>} : memref<512x32xf32, #tpu.memory_space<vmem>>, vector<1x16xf32>,
        %swap3A_634 = vector.shape_cast %swap3A_633 : vector<1x16xf32> to vector<16xf32>
        %swap3A_635 = vector.shape_cast %get3A_630 : vector<16xf32> to vector<1x16xf32>
        tpu.vector_store %arg10[%swap3A_631, %swap3A_632], %swap3A_635 {add = true, strides = array<i32>} : memref<512x32xf32, #tpu.memory_space<vmem>>, vector<1x16xf32>,
        %add3A_636 = arith.addi %mul3A_153, %add3A_170 : i32
        %add3A_637 = arith.constant 14 : i32
        %add3A_638 = arith.addi %add3A_636, %add3A_637 : i32
        %add3A_639 = arith.constant 14 : i32
        %add3A_640 = arith.addi %add3A_170, %add3A_639 : i32
        %add3A_641 = arith.constant 16 : i32
        %add3A_642 = arith.addi %squeeze3A_621, %add3A_641 : i32
        %get3A_643 = arith.index_cast %add3A_640 : i32 to index
        %get3A_644 = arith.index_cast %add3A_642 : i32 to index
        %get3A_645 = tpu.vector_load %arg9[%get3A_643, %get3A_644] {strides = array<i32>} : memref<128x128xf32, #tpu.memory_space<vmem>>, vector<1x16xf32>,
        %get3A_646 = vector.shape_cast %get3A_645 : vector<1x16xf32> to vector<16xf32>
        %swap3A_647 = arith.index_cast %add3A_638 : i32 to index
        %swap3A_648 = arith.constant 16 : index
        %swap3A_649 = tpu.vector_load %arg10[%swap3A_647, %swap3A_648] {strides = array<i32>} : memref<512x32xf32, #tpu.memory_space<vmem>>, vector<1x16xf32>,
        %swap3A_650 = vector.shape_cast %swap3A_649 : vector<1x16xf32> to vector<16xf32>
        %swap3A_651 = vector.shape_cast %get3A_646 : vector<16xf32> to vector<1x16xf32>
        tpu.vector_store %arg10[%swap3A_647, %swap3A_648], %swap3A_651 {add = true, strides = array<i32>} : memref<512x32xf32, #tpu.memory_space<vmem>>, vector<1x16xf32>,
        %slice3A_652 = vector.extract_strided_slice %get3A_174 {offsets = [15], sizes = [1], strides = [1]} : vector<16xi32> to vector<1xi32>
        %squeeze3A_653 = vector.extract %slice3A_652[0] : i32 from vector<1xi32>
        %add3A_654 = arith.addi %mul3A_153, %add3A_170 : i32
        %add3A_655 = arith.constant 15 : i32
        %add3A_656 = arith.addi %add3A_654, %add3A_655 : i32
        %add3A_657 = arith.constant 15 : i32
        %add3A_658 = arith.addi %add3A_170, %add3A_657 : i32
        %get3A_659 = arith.index_cast %add3A_658 : i32 to index
        %get3A_660 = arith.index_cast %squeeze3A_653 : i32 to index
        %get3A_661 = tpu.vector_load %arg9[%get3A_659, %get3A_660] {strides = array<i32>} : memref<128x128xf32, #tpu.memory_space<vmem>>, vector<1x16xf32>,
        %get3A_662 = vector.shape_cast %get3A_661 : vector<1x16xf32> to vector<16xf32>
        %swap3A_663 = arith.index_cast %add3A_656 : i32 to index
        %swap3A_664 = arith.constant 0 : index
        %swap3A_665 = tpu.vector_load %arg10[%swap3A_663, %swap3A_664] {strides = array<i32>} : memref<512x32xf32, #tpu.memory_space<vmem>>, vector<1x16xf32>,
        %swap3A_666 = vector.shape_cast %swap3A_665 : vector<1x16xf32> to vector<16xf32>
        %swap3A_667 = vector.shape_cast %get3A_662 : vector<16xf32> to vector<1x16xf32>
        tpu.vector_store %arg10[%swap3A_663, %swap3A_664], %swap3A_667 {add = true, strides = array<i32>} : memref<512x32xf32, #tpu.memory_space<vmem>>, vector<1x16xf32>,
        %add3A_668 = arith.addi %mul3A_153, %add3A_170 : i32
        %add3A_669 = arith.constant 15 : i32
        %add3A_670 = arith.addi %add3A_668, %add3A_669 : i32
        %add3A_671 = arith.constant 15 : i32
        %add3A_672 = arith.addi %add3A_170, %add3A_671 : i32
        %add3A_673 = arith.constant 16 : i32
        %add3A_674 = arith.addi %squeeze3A_653, %add3A_673 : i32
        %get3A_675 = arith.index_cast %add3A_672 : i32 to index
        %get3A_676 = arith.index_cast %add3A_674 : i32 to index
        %get3A_677 = tpu.vector_load %arg9[%get3A_675, %get3A_676] {strides = array<i32>} : memref<128x128xf32, #tpu.memory_space<vmem>>, vector<1x16xf32>,
        %get3A_678 = vector.shape_cast %get3A_677 : vector<1x16xf32> to vector<16xf32>
        %swap3A_679 = arith.index_cast %add3A_670 : i32 to index
        %swap3A_680 = arith.constant 16 : index
        %swap3A_681 = tpu.vector_load %arg10[%swap3A_679, %swap3A_680] {strides = array<i32>} : memref<512x32xf32, #tpu.memory_space<vmem>>, vector<1x16xf32>,
        %swap3A_682 = vector.shape_cast %swap3A_681 : vector<1x16xf32> to vector<16xf32>
        %swap3A_683 = vector.shape_cast %get3A_678 : vector<16xf32> to vector<1x16xf32>
        tpu.vector_store %arg10[%swap3A_679, %swap3A_680], %swap3A_683 {add = true, strides = array<i32>} : memref<512x32xf32, #tpu.memory_space<vmem>>, vector<1x16xf32>,
      }
      %scan3A_158 = arith.constant 8 : i32
      %add3A_159 = arith.constant 2 : i32
      %add3A_160 = arith.addi %add3A_101, %add3A_159 : i32
      %lt3A_161 = arith.constant 104 : i32
      %lt3A_162 = arith.cmpi slt, %add3A_160, %lt3A_161 : i32
      %convert_element_type3A_163 = arith.extui %lt3A_162 : i1 to i32
      %cond3A_164 = arith.constant 0 : i32
      %cond3A_165 = arith.cmpi ne, %convert_element_type3A_163, %cond3A_164 : i32
      scf.if %cond3A_165 {
        %jit3A_166 = arith.constant 4 : i32
        %div3A_167 = arith.divsi %add3A_160, %jit3A_166 : i32
        %sign3A_168 = arith.constant 0 : i32
        %sign3A_169 = arith.cmpi sgt, %add3A_160, %sign3A_168 : i32
        %sign3A_170 = arith.extui %sign3A_169 : i1 to i32
        %sign3A_171 = arith.constant 0 : i32
        %sign3A_172 = arith.cmpi slt, %add3A_160, %sign3A_171 : i32
        %sign3A_173 = arith.extui %sign3A_172 : i1 to i32
        %sign3A_174 = arith.subi %sign3A_170, %sign3A_173 : i32
        %sign3A_175 = arith.constant 0 : i32
        %sign3A_176 = arith.cmpi sgt, %jit3A_166, %sign3A_175 : i32
        %sign3A_177 = arith.extui %sign3A_176 : i1 to i32
        %sign3A_178 = arith.constant 0 : i32
        %sign3A_179 = arith.cmpi slt, %jit3A_166, %sign3A_178 : i32
        %sign3A_180 = arith.extui %sign3A_179 : i1 to i32
        %sign3A_181 = arith.subi %sign3A_177, %sign3A_180 : i32
        %ne3A_182 = arith.cmpi ne, %sign3A_174, %sign3A_181 : i32
        %rem3A_183 = arith.remsi %add3A_160, %jit3A_166 : i32
        %ne3A_184 = arith.constant 0 : i32
        %ne3A_185 = arith.cmpi ne, %rem3A_183, %ne3A_184 : i32
        %and3A_186 = arith.andi %ne3A_182, %ne3A_185 : i1
        %sub3A_187 = arith.constant 1 : i32
        %sub3A_188 = arith.subi %div3A_167, %sub3A_187 : i32
        %select_n3A_189 = arith.select %and3A_186, %sub3A_188, %div3A_167 : i32
        %jit3A_190 = arith.constant 4 : i32
        %eq3A_191 = arith.constant 0 : i32
        %eq3A_192 = arith.cmpi eq, %jit3A_190, %eq3A_191 : i32
        %jit3A_193 = arith.constant 1 : i32
        %select_n3A_194 = arith.select %eq3A_192, %jit3A_193, %jit3A_190 : i32
        %rem3A_195 = arith.remsi %add3A_160, %select_n3A_194 : i32
        %ne3A_196 = arith.constant 0 : i32
        %ne3A_197 = arith.cmpi ne, %rem3A_195, %ne3A_196 : i32
        %lt3A_198 = arith.constant 0 : i32
        %lt3A_199 = arith.cmpi slt, %rem3A_195, %lt3A_198 : i32
        %lt3A_200 = arith.constant 0 : i32
        %lt3A_201 = arith.cmpi slt, %select_n3A_194, %lt3A_200 : i32
        %ne3A_202 = arith.xori %lt3A_199, %lt3A_201 : i1
        %and3A_203 = arith.andi %ne3A_202, %ne3A_197 : i1
        %add3A_204 = arith.addi %rem3A_195, %select_n3A_194 : i32
        %select_n3A_205 = arith.select %and3A_203, %add3A_204, %rem3A_195 : i32
        %dma_start3A_206 = arith.constant 0 : i32
        %dma_start3A_207 = tpu.memref_slice %arg6[%select_n3A_189, %select_n3A_205, %dma_start3A_206] : memref<26x4x128xi32, #tpu.memory_space<vmem>> -> memref<1x1x128xi32, #tpu.memory_space<vmem>>
        %dma_start3A_208 = tpu.memref_squeeze %dma_start3A_207 : memref<1x1x128xi32, #tpu.memory_space<vmem>> -> memref<128xi32, #tpu.memory_space<vmem>>
        %dma_start3A_209 = arith.constant 0 : i32
        %dma_start3A_210 = arith.constant 0 : i32
        %dma_start3A_211 = tpu.memref_slice %arg2[%select_n3A_189, %dma_start3A_209, %dma_start3A_210] : memref<26x25600x128xf32, #tpu.memory_space<hbm>> -> memref<1x25600x128xf32, #tpu.memory_space<hbm>>
        %dma_start3A_212 = tpu.memref_squeeze %dma_start3A_211 : memref<1x25600x128xf32, #tpu.memory_space<hbm>> -> memref<25600x128xf32, #tpu.memory_space<hbm>>
        %dma_start3A_213 = arith.constant 0 : i32
        %dma_start3A_214 = arith.constant 0 : i32
        %dma_start3A_215 = tpu.memref_slice %dma_start3A_212[%dma_start3A_213, %dma_start3A_214] : memref<25600x128xf32, #tpu.memory_space<hbm>> -> memref<25600x128xf32, #tpu.memory_space<hbm>>
        tpu.enqueue_indirect_dma source(%dma_start3A_215 : memref<25600x128xf32, #tpu.memory_space<hbm>>) target(%arg9 : memref<128x128xf32, #tpu.memory_space<vmem>>) offsets(%dma_start3A_208 : memref<128xi32, #tpu.memory_space<vmem>>) semaphore(%arg12 : memref<!tpu.dma_semaphore, #tpu.memory_space<semaphore_mem>>)
      } else {
      }
    }
    %scan3A_39 = arith.constant 52 : i32
    %mul3A_40 = arith.constant 512 : i32
    %mul3A_41 = arith.muli %add3A, %mul3A_40 : i32
    "tpu.region"() ({
      %run_scoped3A = tpu.sem_alloc : memref<!tpu.dma_semaphore, #tpu.memory_space<semaphore_mem>>
      %dma_start3A_42 = arith.constant 0 : i32
      %dma_start3A_43 = tpu.memref_slice %arg5[%mul3A_41, %dma_start3A_42] : memref<16384x32xf32, #tpu.memory_space<hbm>> -> memref<512x32xf32, #tpu.memory_space<hbm>>
      %dma_start3A_44 = arith.constant 0 : i32
      %dma_start3A_45 = tpu.memref_slice %arg5[%mul3A_41, %dma_start3A_44] : memref<16384x32xf32, #tpu.memory_space<hbm>> -> memref<512x32xf32, #tpu.memory_space<hbm>>
      tpu.enqueue_dma source(%arg10 : memref<512x32xf32, #tpu.memory_space<vmem>>) target(%dma_start3A_45 : memref<512x32xf32, #tpu.memory_space<hbm>>) target_semaphore(%run_scoped3A : memref<!tpu.dma_semaphore, #tpu.memory_space<semaphore_mem>>)
      %dma_wait3A = arith.constant 0 : i32
      %dma_wait3A_46 = tpu.memref_slice %arg5[%mul3A_41, %dma_wait3A] : memref<16384x32xf32, #tpu.memory_space<hbm>> -> memref<512x32xf32, #tpu.memory_space<hbm>>
      %dma_wait3A_47 = arith.constant 0 : i32
      %dma_wait3A_48 = tpu.memref_slice %arg5[%mul3A_41, %dma_wait3A_47] : memref<16384x32xf32, #tpu.memory_space<hbm>> -> memref<512x32xf32, #tpu.memory_space<hbm>>
      tpu.wait_dma2 semaphore(%run_scoped3A : memref<!tpu.dma_semaphore, #tpu.memory_space<semaphore_mem>>) src(%arg10 : memref<512x32xf32, #tpu.memory_space<vmem>>) dst(%dma_wait3A_48 : memref<512x32xf32, #tpu.memory_space<hbm>>)
      tpu.yield
    }) : () -> ()
    return
  }
}

module attributes {stable_mosaic.version = 14 : i64} {
  func.func @_tc_pack_body(%arg0: i32, %arg1: i32, %arg2: memref<1x32x4096xf32, #tpu.memory_space<vmem>>, %arg3: memref<1x1024x128xf32, #tpu.memory_space<vmem>>) attributes {dimension_semantics = [#tpu.dimension_semantics<arbitrary>, #tpu.dimension_semantics<arbitrary>], iteration_bounds = array<i64: 26, 25>, scalar_prefetch = 0 : i64, scratch_operands = 0 : i64, tpu.core_type = #tpu.core_type<tc>, window_params = [{transform_indices = @transform_0, window_bounds = array<i64: 1, 32, 4096>}, {transform_indices = @transform_1, window_bounds = array<i64: 1, 1024, 128>}]} {
    %get3A = arith.constant 0 : index
    %get3A_0 = arith.constant 0 : index
    %get3A_1 = arith.constant 0 : index
    %get3A_2 = vector.load %arg2[%get3A, %get3A_0, %get3A_1] : memref<1x32x4096xf32, #tpu.memory_space<vmem>>, vector<1x32x4096xf32>
    %get3A_3 = vector.shape_cast %get3A_2 : vector<1x32x4096xf32> to vector<32x4096xf32>
    %iota3A = tpu.iota {dimensions = array<i32: 0>} : vector<32x32xi32>
    %iota3A_4 = tpu.iota {dimensions = array<i32: 1>} : vector<32x32xi32>
    %add3A = arith.constant 0 : i32
    %add3A_5 = vector.broadcast %add3A : i32 to vector<32x32xi32>
    %add3A_6 = arith.addi %iota3A, %add3A_5 : vector<32x32xi32>
    %eq3A = arith.cmpi eq, %add3A_6, %iota3A_4 : vector<32x32xi32>
    %convert_element_type3A = arith.extui %eq3A : vector<32x32xi1> to vector<32x32xi32>
    %convert_element_type3A_7 = arith.sitofp %convert_element_type3A : vector<32x32xi32> to vector<32x32xf32>
    %dot_general3A = arith.constant dense<0.000000e+00> : vector<4096x32xf32>
    %dot_general3A_8 = tpu.matmul %get3A_3, %convert_element_type3A_7, %dot_general3A {dimension_numbers = #tpu.dot_dimension_numbers<[0], [0], [1], [1], [0, 1, 1, 1], [], []>, precision = #tpu.contract_precision<fp32>, transpose_lhs_hint = false} : vector<32x4096xf32>, vector<32x32xf32>, vector<4096x32xf32> -> vector<4096x32xf32>
    %mul3A = arith.constant 0.0384615399 : f32
    %mul3A_9 = vector.broadcast %mul3A : f32 to vector<4096x32xf32>
    %mul3A_10 = arith.mulf %dot_general3A_8, %mul3A_9 : vector<4096x32xf32>
    %slice3A = vector.extract_strided_slice %mul3A_10 {offsets = [0, 0], sizes = [1024, 32], strides = [1, 1]} : vector<4096x32xf32> to vector<1024x32xf32>
    %slice3A_11 = vector.extract_strided_slice %mul3A_10 {offsets = [1024, 0], sizes = [1024, 32], strides = [1, 1]} : vector<4096x32xf32> to vector<1024x32xf32>
    %slice3A_12 = vector.extract_strided_slice %mul3A_10 {offsets = [2048, 0], sizes = [1024, 32], strides = [1, 1]} : vector<4096x32xf32> to vector<1024x32xf32>
    %slice3A_13 = vector.extract_strided_slice %mul3A_10 {offsets = [3072, 0], sizes = [1024, 32], strides = [1, 1]} : vector<4096x32xf32> to vector<1024x32xf32>
    %concatenate3A = tpu.concatenate %slice3A, %slice3A_11, %slice3A_12, %slice3A_13 in 1 : vector<1024x32xf32>, vector<1024x32xf32>, vector<1024x32xf32>, vector<1024x32xf32> -> vector<1024x128xf32>
    %swap3A = arith.constant 0 : index
    %swap3A_14 = arith.constant 0 : index
    %swap3A_15 = arith.constant 0 : index
    %swap3A_16 = vector.load %arg3[%swap3A, %swap3A_14, %swap3A_15] : memref<1x1024x128xf32, #tpu.memory_space<vmem>>, vector<1x1024x128xf32>
    %swap3A_17 = vector.shape_cast %swap3A_16 : vector<1x1024x128xf32> to vector<1024x128xf32>
    %swap3A_18 = vector.shape_cast %concatenate3A : vector<1024x128xf32> to vector<1x1024x128xf32>
    tpu.vector_store %arg3[%swap3A, %swap3A_14, %swap3A_15], %swap3A_18 {strides = array<i32>} : memref<1x1024x128xf32, #tpu.memory_space<vmem>>, vector<1x1024x128xf32>,
    return
  }
  func.func @transform_0(%arg0: i32, %arg1: i32) -> (i32, i32, i32) {
    %c0_i32 = arith.constant 0 : i32
    %c0_i32_0 = arith.constant 0 : i32
    return %arg0, %c0_i32, %arg1 : i32, i32, i32
  }
  func.func @transform_1(%arg0: i32, %arg1: i32) -> (i32, i32, i32) {
    %c0_i32 = arith.constant 0 : i32
    %c0_i32_0 = arith.constant 0 : i32
    return %arg0, %arg1, %c0_i32 : i32, i32, i32
  }
}

</mosaic_0001>

<sc_bundles>
// kernel: _embedded_features.4.cloned.1.call-start
scs
__scs_entry_jumppad:
0x0: {  	(pc) =	sbr.rel $0x88, $3  }
0x1: {  	(tag) =	ssettag $0x0;
	lr =	simm.s32 $0x1  }
0x2: {  	[smem:$0x3F9F] =	sst lr;
	_ =	strace $0xD0000000  }
0x3: {  	_ = 	snop  }
0x4: {  	_ = 	snop  }
0x5: {  	_ = 	snop  }
0x6: {  	_ = 	snop  }
0x7: {  	_ = 	snop  }
__scs_overlays_trampoline_lowered:
0x8: {  	[smem:$0x3FAE] =	sst s0  }
0x9: {  	[smem:$0x3FAF] =	sst s1  }
0xa: {  	[smem:$0x3FB0] =	sst s2  }
0xb: {  	[smem:$0x3FB1] =	sst s3  }
0xc: {  	[smem:$0x3FB2] =	sst s4  }
0xd: {  	[smem:$0x3FB3] =	sst s5  }
0xe: {  	[smem:$0x3FB4] =	sst s6  }
0xf: {  	[smem:$0x3FB5] =	sst s7  }
0x10: {  	[smem:$0x3FB6] =	sst s8  }
0x11: {  	[smem:$0x3FB7] =	sst s9;
	s0 =	simm.s32 @!p0 $0x0  }
0x12: {  	s1 =	sld [smem:$0x3F9D];
	s0 =	simm.s32 @p0 $0x1  }
0x13: {  	[smem:$0x3FB8] =	sst s0;
	s0 =	simm.s32 @!p1 $0x0  }
0x14: {  	s2 =	sld [smem:$0x3F9C];
	s0 =	simm.s32 @p1 $0x1  }
0x15: {  	[smem:$0x3FB9] =	sst s0;
	s0 =	simm.s32 @!p2 $0x0  }
0x16: {  	s3 =	sld [smem:$0x3FDB];
	s0 =	simm.s32 @p2 $0x1  }
0x17: {  	s4 =	simm.s32 $0x1BF5;
	[smem:$0x3FBB] =	sst s0  }
0x18: {  	s0 =	sld [smem:$0x3F9E];
	_ =	swait.ge [sflag:s4], $0x0  }
0x19: {  	s7 =	sld [smem:$0x3F9F]  }
0x1a: {  	s8 =	sadd.s32 $0xFFFFE003, lr  }
0x1b: {  	s9 =	sadd.s32 $0xFFFFFEF7, lr;
	s5 =	simm.s32 $0xFFFFFFFF;
	p2 =	slt.u32 s8, $0xFFFFF086  }
0x1c: {  	p1 =	slt.u32 s9, $0xF7A;
	s5 =	simm.s32 @!p2 $0x0  }
0x1d: {  	s5 =	simm.s32 @p1 $0x1;
	p0 =	seq.s32 s7, s2  }
0x1e: {  	s7 =	smul.u32 @!p0 $0xF7A, s2;
	p2 =	seq.s32 @!p0 s5, $0x0  }
0x1f: {  	s9 =	smul.u32 $0xF7A, s1;
	s8 =	simm.s32 @!p0 $0x1BF5;
	p2 =	por !p2, p0  }
0x20: {  	[sflag:s8] =	ssyncset.s32 @!p0 $0xFFFFF086;
	s6 =	sadd.s32 @!p0 s3, s7;
	s7 =	simm.s32 @!p0 $0x108  }
0x21: {  	s3 =	sadd.s32 s3, s9;
	s6 =	sadd.s32 @!p0 $0x88, s6;
	s7 =	simm.s32 @p2 $0x1082  }
0x22: {  	[simem:s7], [sflag:s8] =	dma.local @!p0 [hbm:s6], $0xF7A  }
0x23: {  	s9 =	sor.u32 $0xD0000000, s2;
	s6 =	simm.s32 $0x108;
	_ =	swait.ge @!p0 [sflag:s8], $0x0  }
0x24: {  	s3 =	sadd.s32 $0x88, s3;
	s6 =	simm.s32 @!p1 $0x1082;
	[sflag:s4] =	ssyncset.s32 $0xFFFFF086  }
0x25: {  	[simem:s6], [sflag:s4] =	dma.local [hbm:s3], $0xF7A  }
0x26: {  	[smem:$0x3F9F] =	sst s1;
	(tag) =	ssettag s2;
	_ =	strace s9  }
0x27: {  	s1 =	sld [smem:$0x3FAF]  }
0x28: {  	s2 =	sld [smem:$0x3FB0]  }
0x29: {  	s4 =	sld [smem:$0x3FB2]  }
0x2a: {  	p0 =	seq.s32 s5, $0x0;
	s5 =	sld [smem:$0x3FB3]  }
0x2b: {  	s6 =	sld [smem:$0x3FB4]  }
0x2c: {  	s7 =	sld [smem:$0x3FB5]  }
0x2d: {  	s3 =	simm.s32 $0x108;
	s8 =	sld [smem:$0x3FB6]  }
0x2e: {  	s3 =	simm.s32 @!p0 $0x1082;
	s9 =	sld [smem:$0x3FB7]  }
0x2f: {  	lr =	sadd.s32 s0, s3;
	s0 =	sld [smem:$0x3FAE]  }
0x30: {  	s3 =	sld [smem:$0x3FB1]  }
0x31: {  	[smem:$0x3FBA] =	sst s10  }
0x32: {  	s10 =	sld [smem:$0x3FB8];
	_ =	sdelay $0x3  }
0x33: {  	p0 =	seq.s32 s10, $0x1;
	s10 =	sld [smem:$0x3FBA];
	_ =	sdelay $0x3  }
0x34: {  	[smem:$0x3FBA] =	sst s10  }
0x35: {  	s10 =	sld [smem:$0x3FB9];
	_ =	sdelay $0x3  }
0x36: {  	p1 =	seq.s32 s10, $0x1;
	s10 =	sld [smem:$0x3FBA];
	_ =	sdelay $0x3  }
0x37: {  	[smem:$0x3FBA] =	sst s10  }
0x38: {  	s10 =	sld [smem:$0x3FBB]  }
0x39: {  	_ = 	snop;
	(pc) =	sbr.ind lr, $3  }
0x3a: {  	_ = 	snop  }
0x3b: {  	_ = 	snop  }
0x3c: {  	p2 =	seq.s32 s10, $0x1;
	s10 =	sld [smem:$0x3FBA]  }
0x3d: {  	_ =	shalt  }
0x3e: {  	_ =	shalt  }
0x3f: {  	_ =	shalt  }
0x40: {  	_ =	shalt  }
0x41: {  	_ =	shalt  }
0x42: {  	_ =	shalt  }
0x43: {  	_ =	shalt  }
0x44: {  	_ =	shalt  }
0x45: {  	_ =	shalt  }
0x46: {  	_ =	shalt  }
0x47: {  	_ =	shalt  }
0x48: {  	_ =	shalt  }
0x49: {  	_ =	shalt  }
0x4a: {  	_ =	shalt  }
0x4b: {  	_ =	shalt  }
0x4c: {  	_ =	shalt  }
0x4d: {  	_ =	shalt  }
0x4e: {  	_ =	shalt  }
0x4f: {  	_ =	shalt  }
0x50: {  	_ =	shalt  }
0x51: {  	_ =	shalt  }
0x52: {  	_ =	shalt  }
0x53: {  	_ =	shalt  }
0x54: {  	_ =	shalt  }
0x55: {  	_ =	shalt  }
0x56: {  	_ =	shalt  }
0x57: {  	_ =	shalt  }
0x58: {  	_ =	shalt  }
0x59: {  	_ =	shalt  }
0x5a: {  	_ =	shalt  }
0x5b: {  	_ =	shalt  }
0x5c: {  	_ =	shalt  }
0x5d: {  	_ =	shalt  }
0x5e: {  	_ =	shalt  }
0x5f: {  	_ =	shalt  }
0x60: {  	_ =	shalt  }
0x61: {  	_ =	shalt  }
0x62: {  	_ =	shalt  }
0x63: {  	_ =	shalt  }
0x64: {  	_ =	shalt  }
0x65: {  	_ =	shalt  }
0x66: {  	_ =	shalt  }
0x67: {  	_ =	shalt  }
0x68: {  	_ =	shalt  }
0x69: {  	_ =	shalt  }
0x6a: {  	_ =	shalt  }
0x6b: {  	_ =	shalt  }
0x6c: {  	_ =	shalt  }
0x6d: {  	_ =	shalt  }
0x6e: {  	_ =	shalt  }
0x6f: {  	_ =	shalt  }
0x70: {  	_ =	shalt  }
0x71: {  	_ =	shalt  }
0x72: {  	_ =	shalt  }
0x73: {  	_ =	shalt  }
0x74: {  	_ =	shalt  }
0x75: {  	_ =	shalt  }
0x76: {  	_ =	shalt  }
0x77: {  	_ =	shalt  }
0x78: {  	_ =	shalt  }
0x79: {  	_ =	shalt  }
0x7a: {  	_ =	shalt  }
0x7b: {  	_ =	shalt  }
0x7c: {  	_ =	shalt  }
0x7d: {  	_ =	shalt  }
0x7e: {  	_ =	shalt  }
0x7f: {  	_ =	shalt  }
0x80: {  	_ =	shalt  }
0x81: {  	_ =	shalt  }
0x82: {  	_ =	shalt  }
0x83: {  	_ =	shalt  }
0x84: {  	_ =	shalt  }
0x85: {  	_ =	shalt  }
0x86: {  	_ =	shalt  }
0x87: {  	_ =	shalt  }
.Lfunc_end0:
.L_simem_size_0:
called_computation_lowered:
.L_overlay_start_0:
0x88: {  	s2 =	sld [smem:$0x3FD9]  }
0x89: {  	s3 =	sld [smem:$0x3FFE];
	_ =	sdelay $0x1  }
0x8a: {  	s1 =	srdreg.scid  }
0x8b: {  	s0 =	sand.u32 $0x1, s1  }
0x8c: {  	s17 =	sshll.u32 s0, $0xA;
	s2 =	sadd.s32 s3, s2  }
0x8d: {  	s2 =	sadd.s32 s2, s17  }
0x8e: {  	[smem:$0x3FC6] =	sst s2  }
0x8f: {  	_ = 	snop  }
0x90: {  	s2 =	sld [smem:$0x3FD0];
	(tm) =	ssettm $0x1  }
0x91: {  	s18 =	sld [smem:$0x3FFB];
	_ =	sdelay $0x3  }
0x92: {  	_ =	strace s18  }
0x93: {  	s3 =	sld [smem:$0x3FFC];
	_ =	sdelay $0x3  }
0x94: {  	_ =	strace s3  }
0x95: {  	s3 =	sld [smem:$0x3FFD];
	_ =	sdelay $0x3  }
0x96: {  	_ =	strace s3  }
0x97: {  	_ =	strace $0x8FFFFFFF  }
0x98: {  	s19 =	sld [smem:$0x3FDB];
	_ =	sdelay $0x1  }
0x99: {  	s4 =	simm.s32 $_scs_section_size  }
0x9a: {  	s5 =	simm.s32 $_size__tile_overlayer_lowered;
	s6 =	simm.s32 $_tile_overlayer_lowered  }
0x9b: {  	s22 =	simm.s32 $0x1BFF;
	s21 =	sshll.u32 s6, $0x1;
	s3 =	sadd.s32 s4, s19  }
0x9c: {  	s7 =	simm.s32 $0x0;
	s20 =	sshll.u32 s5, $0x1;
	s5 =	sadd.s32 s21, s3  }
0x9d: {  	[timem:s7], [sflag:s22] =	dma.local [hbm:s5], s20  }
0x9e: {  	_ =	swait.ge [sflag:s22], s20  }
0x9f: {  	s4 =	ssub.s32 $0x0, s20;
	[sflag:s22] =	ssyncset.done $0x0  }
0xa0: {  	[sflag:s22] =	ssyncadd.s32 s4;
	_ =	sdelay $0x1  }
0xa1: {  	s23 =	simm.s32 $0x1B8B  }
0xa2: {  	_ =	swait.ge [sflag:s23], $0x1  }
0xa3: {  	[sflag:s23] =	ssyncset.done $0x0  }
0xa4: {  	s25 =	simm.s32 $0x1B8E;
	s24 =	sld [smem:$0x3FFE];
	[sflag:s23] =	ssyncadd.s32 $0xFFFFFFFF  }
0xa5: {  	s26 =	simm.s32 $execute0_lowered;
	[smem:$0x3FD2] =	sst s25  }
0xa6: {  	s5 =	sshll.u32 s26, $0x1;
	_ =	strace $0x80000046;
	[dreg:$0x1] =	wrdreg $0xFFFFFFFF  }
0xa7: {  	s28 =	simm.s32 $_size_execute0_lowered;
	s3 =	sadd.s32 s3, s5;
	[dreg:$0x0] =	wrdreg $0x0  }
0xa8: {  	s5 =	sshll.u32 s28, $0x1;
	[dreg:$0x2] =	wrdreg s3  }
0xa9: {  	[dreg:$0x3] =	wrdreg s5  }
0xaa: {  	[dreg:$0x4] =	wrdreg $0xC0  }
0xab: {  	_ =	task [dreg:s7], $0x5FFFF  }
0xac: {  	[dreg:$0x1] =	wrdreg $0xFFFFFFFF  }
0xad: {  	[dreg:$0x0] =	wrdreg $0x60  }
0xae: {  	[dreg:$0x2] =	wrdreg s24  }
0xaf: {  	[dreg:$0x3] =	wrdreg s2  }
0xb0: {  	[dreg:$0x4] =	wrdreg $0x9  }
0xb1: {  	_ =	task.clear_ibuf [dreg:s7], $0x5FFFF;
	_ =	strace $0x90000046  }
0xb2: {  	s29 =	simm.s32 $0x9;
	_ =	strace $0x80000048  }
0xb3: {  	_ =	swait.ge [sflag:s29], $0x1  }
0xb4: {  	[sflag:s29] =	ssyncadd.s32 $0xFFFFFFFF  }
0xb5: {  	_ =	strace $0x90000048  }
0xb6: {  	_ =	sfence  }
0xb7: {  	s30 =	sld [smem:$0x0];
	_ =	sdelay $0x2  }
0xb8: {  	s31 =	sshll.u32 s1, $0xD;
	s1 =	sshrl.u32 s1, $0x2  }
0xb9: {  	s3 =	sand.u32 $0x4000, s31;
	s1 =	sadd.s32 s1, s30  }
0xba: {  	s0 =	sor.u32 s3, s0;
	s1 =	sshll.u32 s1, $0x11  }
0xbb: {  	s0 =	sor.u32 s1, s0  }
0xbc: {  	s0 =	sadd.s32 $0x8F2B, s0  }
0xbd: {  	[sflag:s0] =	ssyncadd.remote.s32 $0x1  }
0xbe: {  	_ =	sfence.sel $0xFFFF  }
0xbf: {  	[dreg:$0x0] =	wrdreg $0xFFFFFFFF;
	(pc) =	sbr.abs _section_cstart, $3  }
0xc0: {  	[dreg:$0x1] =	wrdreg $0xFFFFFFFF  }
0xc1: {  	_ =	task.clear_ibuf [dreg:s7], $0x2FFFF;
	_ =	strace $0x9FFFFFFF  }
0xc2: {  	(tm) =	ssettm $0x7FFFFFFF  }
0xc3: {  	_ =	shalt  }
tec
execute0_lowered:
.L_overlay_start_1:
0x0: {  	(tag) =	ssettag $0x1  }
0x1: {  	s0 =	rddreg [dreg:$0x0]  }
0x2: {  	s1 =	rddreg [dreg:$0x1];
	s8 =	simm.s32 $0x0  }
0x3: {  	s2 =	srdreg.scid;
	s7 =	stileid.u32;
	s15 =	simm.s32 $0x1  }
0x4: {  	[smem:$0x7FF] =	sst s8;
	s2 =	sand.u32 $0x1, s2;
	s3 =	sadd.s32 $0xD600, s0  }
0x5: {  	s4 =	sshll.u32 s7, $0x7;
	s7 =	sshll.u32 s7, $0xE;
	_ =	strace $0x80000047  }
0x6: {  	s5 =	sshll.u32 s2, $0x6;
	s29 =	sshll.u32 s2, $0xD;
	s2 =	ssub.s32 $0x2, s2  }
0x7: {  	s4 =	sor.u32 s5, s4;
	s5 =	sadd.s32 s29, s0;
	s6 =	sshrl.u32 s2, $0x1  }
.Ltmp0:
0x8: {  	s0 =	sadd.s32 s4, s0;
	s1 =	sadd.s32 s1, s4;
	(pc) =	sbr.rel .LBB2_1-.Ltmp0, $4  }
0x9: {  	s5 =	sadd.s32 s7, s5;
	[dreg:$0x3] =	wrdreg s1;
	s0 =	sadd.s32 $0x600, s0  }
0xa: {  	s2 =	ssub.s32 s2, s6;
	s30 =	sadd.s32 $0xA35600, s5;
	[dreg:$0x4] =	wrdreg s0  }
0xb: {  	s16 =	simm.s32 $0x2;
	s31 =	smax.u32 s2, $0x1;
	[dreg:$0x5] =	wrdreg s30  }
0xc: {  	v0 =	vimm.f32 $0.0e+00;
	s4 =	simm.s32 $0x3;
	s1 =	simm.s32 $0x0;
	[dreg:$0x6] =	wrdreg s31  }
.LBB2_10:
0xd: {  	s8 =	simm.s32 $0x0  }
0xe: {  	s0 =	rddreg [dreg:$0x5];
	s1 =	simm.s32 $0xE800;
	s4 =	simm.s32 $0x3  }
0xf: {  	[hbm4b:s0+s8] =	stream.linear.scatter [tilespmem:s1], [sflag:$0x3], $0x10000, $0x38;
	[tilespmem:$0x1E800] =	vst v63  }
0x10: {  	_ =	swait.ge [sflag:s4], $0x10000  }
0x11: {  	s30 =	rddreg [dreg:$0x7]  }
0x12: {  	s31 =	rddreg [dreg:$0x6];
	s1 =	sadd.s32 $0x1, s30  }
0x13: {  	p0 =	sne.s32 s1, s31  }
.Ltmp1:
0x14: {  	_ = 	snop;
	(pc) =	sbr.rel @!p0 .LBB2_11-.Ltmp1, $3  }
0x15: {  	_ =	sdelay $0x1  }
0x16: {  	[sflag:s4] =	ssyncset.done $0x0  }
0x17: {  	[sflag:s4] =	ssyncadd.s32 $0xFFFF0000  }
.LBB2_1:
0x18: {  	[dreg:$0x7] =	wrdreg s1  }
0x19: {  	s0 =	rddreg [dreg:$0x3];
	s30 =	simm.s32 $0x200;
	s2 =	simm.s32 $0x4000  }
0x1a: {  	[tilespmem:s8], [sflag:$0x3] =	stream.strided.gather [hbm4b:s0+s30], $0x3400, s2, s30, $0x38;
	[tilespmem:$0x1E800] =	vst v63  }
0x1b: {  	_ =	swait.ge [sflag:s4], $0x3400  }
0x1c: {  	[sflag:s4] =	ssyncset.done $0x0  }
0x1d: {  	s5 =	simm.s32 $0x3400;
	s31 =	rddreg [dreg:$0x4];
	[sflag:s4] =	ssyncadd.s32 $0xFFFFCC00  }
0x1e: {  	[tilespmem:s5], [sflag:$0x3] =	stream.strided.gather [hbm4b:s31+s30], $0x3400, s2, s30, $0x38;
	[tilespmem:$0x1E800] =	vst v63  }
0x1f: {  	_ =	swait.ge [sflag:s4], $0x3400  }
0x20: {  	[sflag:s4] =	ssyncset.done $0x0  }
0x21: {  	s1 =	simm.s32 $0x0;
	s0 =	simm.s32 $0x200;
	[sflag:s4] =	ssyncadd.s32 $0xFFFFCC00  }
.LBB2_2:
0x22: {  	p0 =	sne.s32 s0, $0x3FE00;
	[tilespmem:s1+$0xE800] =	vst v0;
	s2 =	smov.u32 s0;
	s0 =	sadd.s32 $0x200, s0  }
.Ltmp2:
0x23: {  	[tilespmem:s1+$0xE810] =	vst v0;
	(pc) =	sbr.rel @p0 .LBB2_2-.Ltmp2, $2  }
0x24: {  	_ =	sdelay $0x2  }
0x25: {  	s1 =	sshra.s32 s2, $0x2  }
0x26: {  	[tilespmem:s1+$0xE800] =	vst v0  }
0x27: {  	[tilespmem:s1+$0xE810] =	vst v0;
	s19 =	simm.s32 $0x0;
	s0 =	simm.s32 $0x80;
	s30 =	simm.s32 $0x6800  }
0x28: {  	[tilespmem:s30], [sflag:$0x1] =	stream.indirect.gather [hbm4b:s3+s0], $0x80, s19, s0, $0xb8;
	[tilespmem:$0x1E800] =	vst v63  }
0x29: {  	s31 =	simm.s32 $0xA800;
	p0 =	por $0x0, $0x0;
	s20 =	simm.s32 $0x0  }
0x2a: {  	[tilespmem:s31], [sflag:$0x2] =	stream.indirect.gather [hbm4b:s3+s0], $0x80, s0, s0, $0xb8;
	[tilespmem:$0x1E800] =	vst v63  }
.LBB2_4:
0x2b: {  	s0 =	simm.s32 $0x1  }
0x2c: {  	s0 =	simm.s32 @!p0 $0x0  }
0x2d: {  	s1 =	sand.u32 $0xFFFFF800, s19;
	s2 =	sshll.u32 s0, $0xA  }
0x2e: {  	_ =	swait.ge [sflag:s15], $0x4000;
	s1 =	sor.u32 s2, s1  }
0x2f: {  	[sflag:s15] =	ssyncset.done $0x0;
	s22 =	sshrl.u32 s1, $0x2  }
0x30: {  	[sflag:s15] =	ssyncadd.s32 $0xFFFFC000;
	s23 =	sadd.s32 $0x3400, s22  }
0x31: {  	v1 =	vld [tilespmem:s23+$0x0];
	_ =	sdelay $0x4  }
0x32: {  	(v2sf) =	vpush v1, $0x0;
	_ =	sdelay $0xb  }
0x33: {  	(v2sf) =	vpush v1, $0x1;
	_ =	sdelay $0x2  }
0x34: {  	s24 =	spop (v2sf)  }
0x35: {  	s25 =	sand.u32 $0x7F, s24;
	s4 =	sshll.u32 s24, $0x2  }
0x36: {  	s4 =	sand.u32 $0xFFFFFE00, s4;
	s2 =	sshll.u32 s25, $0x2  }
0x37: {  	s2 =	sor.u32 s2, s4  }
0x38: {  	s2 =	sshra.s32 s2, $0x2  }
0x39: {  	s2 =	sadd.s32 $0x0, s2  }
0x3a: {  	s1 =	sadd.s32 $0x10, s24;
	v2 =	vld [tilespmem:s2+$0x6800]  }
0x3b: {  	s26 =	sand.u32 $0x7F, s1;
	s1 =	sshll.u32 s1, $0x2  }
0x3c: {  	s0 =	sshll.u32 s0, $0xF;
	s1 =	sand.u32 $0xFFFFFE00, s1;
	s2 =	sshll.u32 s26, $0x2  }
0x3d: {  	s21 =	sadd.s32 $0xE800, s0;
	(v2sf) =	vpush v1, $0x2;
	s28 =	sor.u32 s2, s1  }
0x3e: {  	s24 =	sadd.s32 $0x0, s21;
	s0 =	sshra.s32 s28, $0x2  }
0x3f: {  	s0 =	sadd.s32 $0x0, s0;
	[tilespmem:s24+$0x0] =	vst.add.f32.msk $0xffff, v2  }
0x40: {  	s29 =	spop (v2sf);
	v2 =	vld [tilespmem:s0+$0x6800]  }
0x41: {  	s30 =	sand.u32 $0x7F, s29;
	s31 =	sshll.u32 s29, $0x2  }
0x42: {  	s2 =	sand.u32 $0xFFFFFE00, s31;
	s0 =	sshll.u32 s30, $0x2  }
0x43: {  	s0 =	sor.u32 s0, s2  }
0x44: {  	s0 =	sshra.s32 s0, $0x2  }
0x45: {  	s0 =	sadd.s32 $0x0, s0;
	[tilespmem:s24+$0x10] =	vst.add.f32.msk $0xffff, v2  }
0x46: {  	s1 =	sadd.s32 $0x10, s29;
	v2 =	vld [tilespmem:s0+$0x6880]  }
0x47: {  	s4 =	sand.u32 $0x7F, s1;
	s1 =	sshll.u32 s1, $0x2  }
0x48: {  	s1 =	sand.u32 $0xFFFFFE00, s1;
	s0 =	sshll.u32 s4, $0x2  }
0x49: {  	(v2sf) =	vpush v1, $0x3;
	s0 =	sor.u32 s0, s1  }
0x4a: {  	s0 =	sshra.s32 s0, $0x2  }
0x4b: {  	s0 =	sadd.s32 $0x0, s0;
	[tilespmem:s24+$0x80] =	vst.add.f32.msk $0xffff, v2  }
0x4c: {  	s5 =	spop (v2sf);
	v2 =	vld [tilespmem:s0+$0x6880]  }
0x4d: {  	s6 =	sand.u32 $0x7F, s5;
	s7 =	sshll.u32 s5, $0x2  }
0x4e: {  	s2 =	sand.u32 $0xFFFFFE00, s7;
	s0 =	sshll.u32 s6, $0x2  }
0x4f: {  	s0 =	sor.u32 s0, s2  }
0x50: {  	s0 =	sshra.s32 s0, $0x2  }
0x51: {  	s0 =	sadd.s32 $0x0, s0;
	[tilespmem:s24+$0x90] =	vst.add.f32.msk $0xffff, v2  }
0x52: {  	s1 =	sadd.s32 $0x10, s5;
	v2 =	vld [tilespmem:s0+$0x6900]  }
0x53: {  	s8 =	sand.u32 $0x7F, s1;
	s1 =	sshll.u32 s1, $0x2  }
0x54: {  	s1 =	sand.u32 $0xFFFFFE00, s1;
	s0 =	sshll.u32 s8, $0x2  }
0x55: {  	(v2sf) =	vpush v1, $0x4;
	s0 =	sor.u32 s0, s1  }
0x56: {  	s0 =	sshra.s32 s0, $0x2  }
0x57: {  	s0 =	sadd.s32 $0x0, s0;
	[tilespmem:s24+$0x100] =	vst.add.f32.msk $0xffff, v2  }
0x58: {  	s9 =	spop (v2sf);
	v2 =	vld [tilespmem:s0+$0x6900]  }
0x59: {  	s10 =	sand.u32 $0x7F, s9;
	s11 =	sshll.u32 s9, $0x2  }
0x5a: {  	s2 =	sand.u32 $0xFFFFFE00, s11;
	s0 =	sshll.u32 s10, $0x2  }
0x5b: {  	s0 =	sor.u32 s0, s2  }
0x5c: {  	s0 =	sshra.s32 s0, $0x2  }
0x5d: {  	s0 =	sadd.s32 $0x0, s0;
	[tilespmem:s24+$0x110] =	vst.add.f32.msk $0xffff, v2  }
0x5e: {  	s1 =	sadd.s32 $0x10, s9;
	v2 =	vld [tilespmem:s0+$0x6980]  }
0x5f: {  	s12 =	sand.u32 $0x7F, s1;
	s1 =	sshll.u32 s1, $0x2  }
0x60: {  	s1 =	sand.u32 $0xFFFFFE00, s1;
	s0 =	sshll.u32 s12, $0x2  }
0x61: {  	(v2sf) =	vpush v1, $0x5;
	s0 =	sor.u32 s0, s1  }
0x62: {  	s0 =	sshra.s32 s0, $0x2  }
0x63: {  	s0 =	sadd.s32 $0x0, s0;
	[tilespmem:s24+$0x180] =	vst.add.f32.msk $0xffff, v2  }
0x64: {  	s13 =	spop (v2sf);
	v2 =	vld [tilespmem:s0+$0x6980]  }
0x65: {  	s14 =	sand.u32 $0x7F, s13;
	s17 =	sshll.u32 s13, $0x2  }
0x66: {  	s2 =	sand.u32 $0xFFFFFE00, s17;
	s0 =	sshll.u32 s14, $0x2  }
0x67: {  	s0 =	sor.u32 s0, s2  }
0x68: {  	s0 =	sshra.s32 s0, $0x2  }
0x69: {  	s0 =	sadd.s32 $0x0, s0;
	[tilespmem:s24+$0x190] =	vst.add.f32.msk $0xffff, v2  }
0x6a: {  	s1 =	sadd.s32 $0x10, s13;
	v2 =	vld [tilespmem:s0+$0x6A00]  }
0x6b: {  	s18 =	sand.u32 $0x7F, s1;
	s1 =	sshll.u32 s1, $0x2  }
0x6c: {  	s1 =	sand.u32 $0xFFFFFE00, s1;
	s0 =	sshll.u32 s18, $0x2  }
0x6d: {  	(v2sf) =	vpush v1, $0x6;
	s0 =	sor.u32 s0, s1  }
0x6e: {  	s0 =	sshra.s32 s0, $0x2  }
0x6f: {  	s0 =	sadd.s32 $0x0, s0;
	[tilespmem:s24+$0x200] =	vst.add.f32.msk $0xffff, v2  }
0x70: {  	s25 =	spop (v2sf);
	v2 =	vld [tilespmem:s0+$0x6A00]  }
0x71: {  	s26 =	sand.u32 $0x7F, s25;
	s28 =	sshll.u32 s25, $0x2  }
0x72: {  	s2 =	sand.u32 $0xFFFFFE00, s28;
	s0 =	sshll.u32 s26, $0x2  }
0x73: {  	s0 =	sor.u32 s0, s2  }
0x74: {  	s0 =	sshra.s32 s0, $0x2  }
0x75: {  	s0 =	sadd.s32 $0x0, s0;
	[tilespmem:s24+$0x210] =	vst.add.f32.msk $0xffff, v2  }
0x76: {  	s1 =	sadd.s32 $0x10, s25;
	v2 =	vld [tilespmem:s0+$0x6A80]  }
0x77: {  	s29 =	sand.u32 $0x7F, s1;
	s1 =	sshll.u32 s1, $0x2  }
0x78: {  	s1 =	sand.u32 $0xFFFFFE00, s1;
	s0 =	sshll.u32 s29, $0x2  }
0x79: {  	(v2sf) =	vpush v1, $0x7;
	s0 =	sor.u32 s0, s1  }
0x7a: {  	s0 =	sshra.s32 s0, $0x2  }
0x7b: {  	s0 =	sadd.s32 $0x0, s0;
	[tilespmem:s24+$0x280] =	vst.add.f32.msk $0xffff, v2  }
0x7c: {  	s30 =	spop (v2sf);
	v2 =	vld [tilespmem:s0+$0x6A80]  }
0x7d: {  	s31 =	sand.u32 $0x7F, s30;
	s4 =	sshll.u32 s30, $0x2  }
0x7e: {  	s2 =	sand.u32 $0xFFFFFE00, s4;
	s0 =	sshll.u32 s31, $0x2  }
0x7f: {  	s0 =	sor.u32 s0, s2  }
0x80: {  	s0 =	sshra.s32 s0, $0x2  }
0x81: {  	s0 =	sadd.s32 $0x0, s0;
	[tilespmem:s24+$0x290] =	vst.add.f32.msk $0xffff, v2  }
0x82: {  	s1 =	sadd.s32 $0x10, s30;
	v2 =	vld [tilespmem:s0+$0x6B00]  }
0x83: {  	s5 =	sand.u32 $0x7F, s1;
	s1 =	sshll.u32 s1, $0x2  }
0x84: {  	s1 =	sand.u32 $0xFFFFFE00, s1;
	s0 =	sshll.u32 s5, $0x2  }
0x85: {  	(v2sf) =	vpush v1, $0x8;
	s0 =	sor.u32 s0, s1  }
0x86: {  	s0 =	sshra.s32 s0, $0x2  }
0x87: {  	s0 =	sadd.s32 $0x0, s0;
	[tilespmem:s24+$0x300] =	vst.add.f32.msk $0xffff, v2  }
0x88: {  	s6 =	spop (v2sf);
	v2 =	vld [tilespmem:s0+$0x6B00]  }
0x89: {  	s7 =	sand.u32 $0x7F, s6;
	s8 =	sshll.u32 s6, $0x2  }
0x8a: {  	s2 =	sand.u32 $0xFFFFFE00, s8;
	s0 =	sshll.u32 s7, $0x2  }
0x8b: {  	s0 =	sor.u32 s0, s2  }
0x8c: {  	s0 =	sshra.s32 s0, $0x2  }
0x8d: {  	s0 =	sadd.s32 $0x0, s0;
	[tilespmem:s24+$0x310] =	vst.add.f32.msk $0xffff, v2  }
0x8e: {  	s1 =	sadd.s32 $0x10, s6;
	v2 =	vld [tilespmem:s0+$0x6B80]  }
0x8f: {  	s9 =	sand.u32 $0x7F, s1;
	s1 =	sshll.u32 s1, $0x2  }
0x90: {  	s1 =	sand.u32 $0xFFFFFE00, s1;
	s0 =	sshll.u32 s9, $0x2  }
0x91: {  	(v2sf) =	vpush v1, $0x9;
	s0 =	sor.u32 s0, s1  }
0x92: {  	s0 =	sshra.s32 s0, $0x2  }
0x93: {  	s0 =	sadd.s32 $0x0, s0;
	[tilespmem:s24+$0x380] =	vst.add.f32.msk $0xffff, v2  }
0x94: {  	s10 =	spop (v2sf);
	v2 =	vld [tilespmem:s0+$0x6B80]  }
0x95: {  	s11 =	sand.u32 $0x7F, s10;
	s12 =	sshll.u32 s10, $0x2  }
0x96: {  	s2 =	sand.u32 $0xFFFFFE00, s12;
	s0 =	sshll.u32 s11, $0x2  }
0x97: {  	s0 =	sor.u32 s0, s2  }
0x98: {  	s0 =	sshra.s32 s0, $0x2  }
0x99: {  	s0 =	sadd.s32 $0x0, s0;
	[tilespmem:s24+$0x390] =	vst.add.f32.msk $0xffff, v2  }
0x9a: {  	s1 =	sadd.s32 $0x10, s10;
	v2 =	vld [tilespmem:s0+$0x6C00]  }
0x9b: {  	s13 =	sand.u32 $0x7F, s1;
	s1 =	sshll.u32 s1, $0x2  }
0x9c: {  	s1 =	sand.u32 $0xFFFFFE00, s1;
	s0 =	sshll.u32 s13, $0x2  }
0x9d: {  	(v2sf) =	vpush v1, $0xA;
	s0 =	sor.u32 s0, s1  }
0x9e: {  	s0 =	sshra.s32 s0, $0x2  }
0x9f: {  	s0 =	sadd.s32 $0x0, s0;
	[tilespmem:s24+$0x400] =	vst.add.f32.msk $0xffff, v2  }
0xa0: {  	s14 =	spop (v2sf);
	v2 =	vld [tilespmem:s0+$0x6C00]  }
0xa1: {  	s17 =	sand.u32 $0x7F, s14;
	s18 =	sshll.u32 s14, $0x2  }
0xa2: {  	s2 =	sand.u32 $0xFFFFFE00, s18;
	s0 =	sshll.u32 s17, $0x2  }
0xa3: {  	s0 =	sor.u32 s0, s2  }
0xa4: {  	s0 =	sshra.s32 s0, $0x2  }
0xa5: {  	s0 =	sadd.s32 $0x0, s0;
	[tilespmem:s24+$0x410] =	vst.add.f32.msk $0xffff, v2  }
0xa6: {  	s1 =	sadd.s32 $0x10, s14;
	v2 =	vld [tilespmem:s0+$0x6C80]  }
0xa7: {  	s25 =	sand.u32 $0x7F, s1;
	s1 =	sshll.u32 s1, $0x2  }
0xa8: {  	s1 =	sand.u32 $0xFFFFFE00, s1;
	s0 =	sshll.u32 s25, $0x2  }
0xa9: {  	(v2sf) =	vpush v1, $0xB;
	s0 =	sor.u32 s0, s1  }
0xaa: {  	s0 =	sshra.s32 s0, $0x2  }
0xab: {  	s0 =	sadd.s32 $0x0, s0;
	[tilespmem:s24+$0x480] =	vst.add.f32.msk $0xffff, v2  }
0xac: {  	s26 =	spop (v2sf);
	v2 =	vld [tilespmem:s0+$0x6C80]  }
0xad: {  	s28 =	sand.u32 $0x7F, s26;
	s29 =	sshll.u32 s26, $0x2  }
0xae: {  	s2 =	sand.u32 $0xFFFFFE00, s29;
	s0 =	sshll.u32 s28, $0x2  }
0xaf: {  	s0 =	sor.u32 s0, s2  }
0xb0: {  	s0 =	sshra.s32 s0, $0x2  }
0xb1: {  	s0 =	sadd.s32 $0x0, s0;
	[tilespmem:s24+$0x490] =	vst.add.f32.msk $0xffff, v2  }
0xb2: {  	s1 =	sadd.s32 $0x10, s26;
	v2 =	vld [tilespmem:s0+$0x6D00]  }
0xb3: {  	s30 =	sand.u32 $0x7F, s1;
	s1 =	sshll.u32 s1, $0x2  }
0xb4: {  	s1 =	sand.u32 $0xFFFFFE00, s1;
	s0 =	sshll.u32 s30, $0x2  }
0xb5: {  	(v2sf) =	vpush v1, $0xC;
	s0 =	sor.u32 s0, s1  }
0xb6: {  	s0 =	sshra.s32 s0, $0x2  }
0xb7: {  	s0 =	sadd.s32 $0x0, s0;
	[tilespmem:s24+$0x500] =	vst.add.f32.msk $0xffff, v2  }
0xb8: {  	s31 =	spop (v2sf);
	v2 =	vld [tilespmem:s0+$0x6D00]  }
0xb9: {  	s4 =	sand.u32 $0x7F, s31;
	s5 =	sshll.u32 s31, $0x2  }
0xba: {  	s2 =	sand.u32 $0xFFFFFE00, s5;
	s0 =	sshll.u32 s4, $0x2  }
0xbb: {  	s0 =	sor.u32 s0, s2  }
0xbc: {  	s0 =	sshra.s32 s0, $0x2  }
0xbd: {  	s0 =	sadd.s32 $0x0, s0;
	[tilespmem:s24+$0x510] =	vst.add.f32.msk $0xffff, v2  }
0xbe: {  	s1 =	sadd.s32 $0x10, s31;
	v2 =	vld [tilespmem:s0+$0x6D80]  }
0xbf: {  	s6 =	sand.u32 $0x7F, s1;
	s1 =	sshll.u32 s1, $0x2  }
0xc0: {  	s1 =	sand.u32 $0xFFFFFE00, s1;
	s0 =	sshll.u32 s6, $0x2  }
0xc1: {  	(v2sf) =	vpush v1, $0xD;
	s0 =	sor.u32 s0, s1  }
0xc2: {  	s0 =	sshra.s32 s0, $0x2  }
0xc3: {  	s0 =	sadd.s32 $0x0, s0;
	[tilespmem:s24+$0x580] =	vst.add.f32.msk $0xffff, v2  }
0xc4: {  	s7 =	spop (v2sf);
	v2 =	vld [tilespmem:s0+$0x6D80]  }
0xc5: {  	s8 =	sand.u32 $0x7F, s7;
	s9 =	sshll.u32 s7, $0x2  }
0xc6: {  	s2 =	sand.u32 $0xFFFFFE00, s9;
	s0 =	sshll.u32 s8, $0x2  }
0xc7: {  	s0 =	sor.u32 s0, s2  }
0xc8: {  	s0 =	sshra.s32 s0, $0x2  }
0xc9: {  	s0 =	sadd.s32 $0x0, s0;
	[tilespmem:s24+$0x590] =	vst.add.f32.msk $0xffff, v2  }
0xca: {  	s1 =	sadd.s32 $0x10, s7;
	v2 =	vld [tilespmem:s0+$0x6E00]  }
0xcb: {  	s10 =	sand.u32 $0x7F, s1;
	s1 =	sshll.u32 s1, $0x2  }
0xcc: {  	s1 =	sand.u32 $0xFFFFFE00, s1;
	s0 =	sshll.u32 s10, $0x2  }
0xcd: {  	(v2sf) =	vpush v1, $0xE;
	s0 =	sor.u32 s0, s1  }
0xce: {  	s0 =	sshra.s32 s0, $0x2  }
0xcf: {  	s0 =	sadd.s32 $0x0, s0;
	[tilespmem:s24+$0x600] =	vst.add.f32.msk $0xffff, v2  }
0xd0: {  	s11 =	spop (v2sf);
	v2 =	vld [tilespmem:s0+$0x6E00]  }
0xd1: {  	s12 =	sand.u32 $0x7F, s11;
	s13 =	sshll.u32 s11, $0x2  }
0xd2: {  	s2 =	sand.u32 $0xFFFFFE00, s13;
	s0 =	sshll.u32 s12, $0x2  }
0xd3: {  	s0 =	sor.u32 s0, s2  }
0xd4: {  	s0 =	sshra.s32 s0, $0x2  }
0xd5: {  	s0 =	sadd.s32 $0x0, s0;
	[tilespmem:s24+$0x610] =	vst.add.f32.msk $0xffff, v2  }
0xd6: {  	s1 =	sadd.s32 $0x10, s11;
	v2 =	vld [tilespmem:s0+$0x6E80]  }
0xd7: {  	s14 =	sand.u32 $0x7F, s1;
	s1 =	sshll.u32 s1, $0x2  }
0xd8: {  	s1 =	sand.u32 $0xFFFFFE00, s1;
	s0 =	sshll.u32 s14, $0x2  }
0xd9: {  	(v2sf) =	vpush v1, $0xF;
	s0 =	sor.u32 s0, s1  }
0xda: {  	s0 =	sshra.s32 s0, $0x2  }
0xdb: {  	s0 =	sadd.s32 $0x0, s0;
	[tilespmem:s24+$0x680] =	vst.add.f32.msk $0xffff, v2  }
0xdc: {  	s17 =	spop (v2sf);
	v1 =	vld [tilespmem:s0+$0x6E80]  }
0xdd: {  	s18 =	sand.u32 $0x7F, s17;
	s25 =	sshll.u32 s17, $0x2  }
0xde: {  	s2 =	sand.u32 $0xFFFFFE00, s25;
	s0 =	sshll.u32 s18, $0x2  }
0xdf: {  	s0 =	sor.u32 s0, s2  }
0xe0: {  	s0 =	sshra.s32 s0, $0x2  }
0xe1: {  	s0 =	sadd.s32 $0x0, s0;
	[tilespmem:s24+$0x690] =	vst.add.f32.msk $0xffff, v1  }
0xe2: {  	s1 =	sadd.s32 $0x10, s17;
	v1 =	vld [tilespmem:s0+$0x6F00]  }
0xe3: {  	s26 =	sand.u32 $0x7F, s1;
	s1 =	sshll.u32 s1, $0x2  }
0xe4: {  	s1 =	sand.u32 $0xFFFFFE00, s1;
	s0 =	sshll.u32 s26, $0x2  }
0xe5: {  	s0 =	sor.u32 s0, s1  }
0xe6: {  	s0 =	sshra.s32 s0, $0x2  }
0xe7: {  	s0 =	sadd.s32 $0x0, s0;
	[tilespmem:s24+$0x700] =	vst.add.f32.msk $0xffff, v1  }
0xe8: {  	s28 =	spop (v2sf);
	v1 =	vld [tilespmem:s0+$0x6F00]  }
0xe9: {  	s29 =	sand.u32 $0x7F, s28;
	s30 =	sshll.u32 s28, $0x2  }
0xea: {  	s2 =	sand.u32 $0xFFFFFE00, s30;
	s0 =	sshll.u32 s29, $0x2  }
0xeb: {  	s0 =	sor.u32 s0, s2  }
0xec: {  	s0 =	sshra.s32 s0, $0x2  }
0xed: {  	s0 =	sadd.s32 $0x0, s0;
	[tilespmem:s24+$0x710] =	vst.add.f32.msk $0xffff, v1  }
0xee: {  	s1 =	sadd.s32 $0x10, s28;
	v1 =	vld [tilespmem:s0+$0x6F80]  }
0xef: {  	s31 =	sand.u32 $0x7F, s1;
	s1 =	sshll.u32 s1, $0x2  }
0xf0: {  	s1 =	sand.u32 $0xFFFFFE00, s1;
	s0 =	sshll.u32 s31, $0x2  }
0xf1: {  	s0 =	sor.u32 s0, s1  }
0xf2: {  	s0 =	sshra.s32 s0, $0x2  }
0xf3: {  	s0 =	sadd.s32 $0x0, s0;
	[tilespmem:s24+$0x780] =	vst.add.f32.msk $0xffff, v1  }
0xf4: {  	s22 =	sadd.s32 $0x3480, s22;
	s25 =	simm.s32 $0x2000;
	v1 =	vld [tilespmem:s0+$0x6F80]  }
.LBB2_5:
0xf5: {  	_ =	sdelay $0x2  }
0xf6: {  	p1 =	sne.s32 s25, $0xE000  }
0xf7: {  	s23 =	sadd.s32 $0x10, s23;
	s0 =	smov.u32 s25;
	s25 =	sadd.s32 $0x2000, s25;
	[tilespmem:s24+$0x790] =	vst.add.f32.msk $0xffff, v1  }
0xf8: {  	v1 =	vld [tilespmem:s23+$0x0];
	_ =	sdelay $0x4  }
0xf9: {  	(v2sf) =	vpush v1, $0x0;
	_ =	sdelay $0x3  }
0xfa: {  	(v2sf) =	vpush v1, $0x1;
	_ =	sdelay $0x2  }
0xfb: {  	(v2sf) =	vpush v1, $0x2;
	_ =	sdelay $0x7  }
0xfc: {  	s26 =	sshra.s32 s0, $0x2;
	s0 =	spop (v2sf);
	(v2sf) =	vpush v1, $0x3  }
0xfd: {  	s1 =	sand.u32 $0x7F, s0;
	s2 =	sshll.u32 s0, $0x2;
	s0 =	sadd.s32 $0x10, s0  }
0xfe: {  	s2 =	sand.u32 $0xFFFFFE00, s2;
	s1 =	sshll.u32 s1, $0x2;
	s4 =	sand.u32 $0x7F, s0  }
0xff: {  	s0 =	sshll.u32 s0, $0x2;
	s1 =	sor.u32 s1, s2;
	s2 =	sshll.u32 s4, $0x2  }
0x100: {  	s0 =	sand.u32 $0xFFFFFE00, s0;
	s1 =	sshra.s32 s1, $0x2;
	s4 =	spop (v2sf)  }
0x101: {  	s0 =	sor.u32 s2, s0;
	s1 =	sadd.s32 s26, s1;
	s2 =	sadd.s32 $0x10, s4;
	(v2sf) =	vpush v1, $0x4  }
0x102: {  	s0 =	sshra.s32 s0, $0x2;
	v2 =	vld [tilespmem:s1+$0x6800];
	s1 =	sand.u32 $0x7F, s4;
	s4 =	sshll.u32 s4, $0x2  }
0x103: {  	s24 =	sadd.s32 s26, s21;
	s4 =	sand.u32 $0xFFFFFE00, s4;
	s5 =	spop (v2sf)  }
0x104: {  	s6 =	sand.u32 $0x7F, s2;
	s2 =	sshll.u32 s2, $0x2;
	s1 =	sshll.u32 s1, $0x2  }
0x105: {  	s2 =	sand.u32 $0xFFFFFE00, s2;
	s1 =	sor.u32 s1, s4;
	s4 =	sshll.u32 s6, $0x2  }
0x106: {  	s6 =	sshll.u32 s5, $0x2;
	s2 =	sor.u32 s4, s2;
	s4 =	sand.u32 $0x7F, s5  }
0x107: {  	s0 =	sadd.s32 s26, s0;
	s2 =	sshra.s32 s2, $0x2;
	s4 =	sshll.u32 s4, $0x2;
	[tilespmem:s24+$0x0] =	vst.add.f32.msk $0xffff, v2;
	(v2sf) =	vpush v1, $0x5  }
0x108: {  	s5 =	sadd.s32 $0x10, s5;
	v2 =	vld [tilespmem:s0+$0x6800];
	s0 =	sshra.s32 s1, $0x2;
	s1 =	sand.u32 $0xFFFFFE00, s6  }
0x109: {  	s6 =	sand.u32 $0x7F, s5;
	s5 =	sshll.u32 s5, $0x2;
	s1 =	sor.u32 s4, s1  }
0x10a: {  	s4 =	sshra.s32 s1, $0x2;
	s1 =	sand.u32 $0xFFFFFE00, s5;
	s5 =	sshll.u32 s6, $0x2  }
0x10b: {  	s0 =	sadd.s32 s26, s0;
	s1 =	sor.u32 s5, s1;
	s5 =	spop (v2sf)  }
0x10c: {  	s6 =	sshra.s32 s1, $0x2;
	s1 =	sand.u32 $0x7F, s5;
	s7 =	sshll.u32 s5, $0x2  }
0x10d: {  	s5 =	sadd.s32 $0x10, s5;
	[tilespmem:s24+$0x10] =	vst.add.f32.msk $0xffff, v2;
	s7 =	sand.u32 $0xFFFFFE00, s7;
	s1 =	sshll.u32 s1, $0x2;
	(v2sf) =	vpush v1, $0x6  }
0x10e: {  	v2 =	vld [tilespmem:s0+$0x6880];
	s0 =	sor.u32 s1, s7;
	s1 =	sand.u32 $0x7F, s5;
	s5 =	sshll.u32 s5, $0x2  }
0x10f: {  	s0 =	sshra.s32 s0, $0x2;
	s7 =	sand.u32 $0xFFFFFE00, s5;
	s1 =	sshll.u32 s1, $0x2  }
0x110: {  	s5 =	sadd.s32 s26, s0;
	s0 =	sor.u32 s1, s7;
	s1 =	spop (v2sf)  }
0x111: {  	s0 =	sshra.s32 s0, $0x2;
	s7 =	sand.u32 $0x7F, s1;
	s8 =	sshll.u32 s1, $0x2  }
0x112: {  	s0 =	sadd.s32 s26, s0;
	s8 =	sand.u32 $0xFFFFFE00, s8;
	s7 =	sshll.u32 s7, $0x2  }
0x113: {  	s2 =	sadd.s32 s26, s2;
	s1 =	sadd.s32 $0x10, s1;
	[tilespmem:s24+$0x80] =	vst.add.f32.msk $0xffff, v2;
	s7 =	sor.u32 s7, s8;
	(v2sf) =	vpush v1, $0x7  }
0x114: {  	s8 =	sshll.u32 s1, $0x2;
	v2 =	vld [tilespmem:s2+$0x6880];
	s2 =	sshra.s32 s7, $0x2;
	s7 =	sand.u32 $0x7F, s1  }
0x115: {  	s1 =	sadd.s32 s26, s2;
	s2 =	sand.u32 $0xFFFFFE00, s8;
	s7 =	sshll.u32 s7, $0x2  }
0x116: {  	s2 =	sor.u32 s7, s2;
	s7 =	spop (v2sf);
	(v2sf) =	vpush v1, $0x8  }
0x117: {  	s2 =	sshra.s32 s2, $0x2;
	s8 =	sand.u32 $0x7F, s7;
	s9 =	sshll.u32 s7, $0x2  }
0x118: {  	s2 =	sadd.s32 s26, s2;
	s9 =	sand.u32 $0xFFFFFE00, s9;
	s8 =	sshll.u32 s8, $0x2  }
0x119: {  	s4 =	sadd.s32 s26, s4;
	s7 =	sadd.s32 $0x10, s7;
	[tilespmem:s24+$0x90] =	vst.add.f32.msk $0xffff, v2;
	s8 =	sor.u32 s8, s9  }
0x11a: {  	v2 =	vld [tilespmem:s4+$0x6900];
	s4 =	sshra.s32 s8, $0x2;
	s8 =	sand.u32 $0x7F, s7;
	s7 =	sshll.u32 s7, $0x2  }
0x11b: {  	s4 =	sadd.s32 s26, s4;
	s7 =	sand.u32 $0xFFFFFE00, s7;
	s8 =	sshll.u32 s8, $0x2  }
0x11c: {  	s7 =	sor.u32 s8, s7;
	s8 =	spop (v2sf)  }
0x11d: {  	s7 =	sshra.s32 s7, $0x2;
	s10 =	sand.u32 $0x7F, s8;
	s11 =	sshll.u32 s8, $0x2  }
0x11e: {  	s9 =	sadd.s32 s26, s7;
	s7 =	sand.u32 $0xFFFFFE00, s11;
	s10 =	sshll.u32 s10, $0x2;
	(v2sf) =	vpush v1, $0x9  }
0x11f: {  	s6 =	sadd.s32 s26, s6;
	s8 =	sadd.s32 $0x10, s8;
	[tilespmem:s24+$0x100] =	vst.add.f32.msk $0xffff, v2;
	s7 =	sor.u32 s10, s7  }
0x120: {  	v2 =	vld [tilespmem:s6+$0x6900];
	s6 =	sshra.s32 s7, $0x2;
	s7 =	sand.u32 $0x7F, s8;
	s8 =	sshll.u32 s8, $0x2  }
0x121: {  	s11 =	sadd.s32 s26, s6;
	s6 =	sand.u32 $0xFFFFFE00, s8;
	s7 =	sshll.u32 s7, $0x2;
	(v2sf) =	vpush v1, $0xA  }
0x122: {  	s6 =	sor.u32 s7, s6;
	s7 =	spop (v2sf)  }
0x123: {  	s6 =	sshra.s32 s6, $0x2;
	s8 =	sand.u32 $0x7F, s7;
	s10 =	sshll.u32 s7, $0x2  }
0x124: {  	s31 =	sadd.s32 s26, s6;
	s6 =	sand.u32 $0xFFFFFE00, s10;
	s8 =	sshll.u32 s8, $0x2  }
0x125: {  	s7 =	sadd.s32 $0x10, s7;
	[tilespmem:s24+$0x110] =	vst.add.f32.msk $0xffff, v2;
	s6 =	sor.u32 s8, s6;
	s8 =	spop (v2sf)  }
0x126: {  	v2 =	vld [tilespmem:s5+$0x6980];
	s5 =	sshra.s32 s6, $0x2;
	s6 =	sand.u32 $0x7F, s7;
	s7 =	sshll.u32 s7, $0x2  }
0x127: {  	s28 =	sadd.s32 s26, s5;
	s5 =	sand.u32 $0xFFFFFE00, s7;
	s6 =	sshll.u32 s6, $0x2  }
0x128: {  	s7 =	sshll.u32 s8, $0x2;
	s5 =	sor.u32 s6, s5;
	s6 =	sand.u32 $0x7F, s8  }
0x129: {  	s7 =	sand.u32 $0xFFFFFE00, s7;
	s5 =	sshra.s32 s5, $0x2;
	s6 =	sshll.u32 s6, $0x2;
	(v2sf) =	vpush v1, $0xB  }
0x12a: {  	s29 =	sadd.s32 s26, s5;
	s5 =	sor.u32 s6, s7;
	s6 =	sadd.s32 $0x10, s8  }
0x12b: {  	[tilespmem:s24+$0x180] =	vst.add.f32.msk $0xffff, v2;
	s5 =	sshra.s32 s5, $0x2;
	s7 =	sand.u32 $0x7F, s6;
	s6 =	sshll.u32 s6, $0x2  }
0x12c: {  	v2 =	vld [tilespmem:s0+$0x6980];
	s30 =	sadd.s32 s26, s5;
	s0 =	sand.u32 $0xFFFFFE00, s6;
	s5 =	sshll.u32 s7, $0x2;
	(v2sf) =	vpush v1, $0xC  }
0x12d: {  	s0 =	sor.u32 s5, s0;
	s5 =	spop (v2sf)  }
0x12e: {  	s0 =	sshra.s32 s0, $0x2;
	s6 =	sand.u32 $0x7F, s5;
	s7 =	sshll.u32 s5, $0x2  }
0x12f: {  	s0 =	sadd.s32 s26, s0;
	s7 =	sand.u32 $0xFFFFFE00, s7;
	s6 =	sshll.u32 s6, $0x2  }
0x130: {  	s5 =	sadd.s32 $0x10, s5;
	s6 =	sor.u32 s6, s7;
	s7 =	spop (v2sf)  }
0x131: {  	s8 =	sand.u32 $0x7F, s5;
	s5 =	sshll.u32 s5, $0x2;
	[tilespmem:s24+$0x190] =	vst.add.f32.msk $0xffff, v2;
	s6 =	sshra.s32 s6, $0x2  }
0x132: {  	s5 =	sand.u32 $0xFFFFFE00, s5;
	v2 =	vld [tilespmem:s1+$0x6A00];
	s1 =	sadd.s32 s26, s6;
	s6 =	sshll.u32 s8, $0x2  }
0x133: {  	s8 =	sshll.u32 s7, $0x2;
	s5 =	sor.u32 s6, s5;
	s6 =	sand.u32 $0x7F, s7  }
0x134: {  	s8 =	sand.u32 $0xFFFFFE00, s8;
	s5 =	sshra.s32 s5, $0x2;
	s6 =	sshll.u32 s6, $0x2;
	(v2sf) =	vpush v1, $0xD  }
0x135: {  	s13 =	sadd.s32 s26, s5;
	s5 =	sor.u32 s6, s8;
	s6 =	sadd.s32 $0x10, s7  }
0x136: {  	s5 =	sshra.s32 s5, $0x2;
	s7 =	sand.u32 $0x7F, s6;
	s6 =	sshll.u32 s6, $0x2  }
0x137: {  	[tilespmem:s24+$0x200] =	vst.add.f32.msk $0xffff, v2;
	s17 =	sadd.s32 s26, s5;
	s5 =	sand.u32 $0xFFFFFE00, s6;
	s6 =	sshll.u32 s7, $0x2;
	(v2sf) =	vpush v1, $0xE  }
0x138: {  	v2 =	vld [tilespmem:s2+$0x6A00];
	s2 =	sor.u32 s6, s5;
	s5 =	spop (v2sf)  }
0x139: {  	s2 =	sshra.s32 s2, $0x2;
	s6 =	sand.u32 $0x7F, s5;
	s7 =	sshll.u32 s5, $0x2  }
0x13a: {  	s8 =	sadd.s32 s26, s2;
	s2 =	sand.u32 $0xFFFFFE00, s7;
	s6 =	sshll.u32 s6, $0x2  }
0x13b: {  	s5 =	sadd.s32 $0x10, s5;
	s2 =	sor.u32 s6, s2;
	s6 =	spop (v2sf)  }
0x13c: {  	s7 =	sand.u32 $0x7F, s5;
	s5 =	sshll.u32 s5, $0x2;
	s2 =	sshra.s32 s2, $0x2  }
0x13d: {  	s5 =	sand.u32 $0xFFFFFE00, s5;
	s7 =	sshll.u32 s7, $0x2;
	[tilespmem:s24+$0x210] =	vst.add.f32.msk $0xffff, v2;
	s2 =	sadd.s32 s26, s2  }
0x13e: {  	v2 =	vld [tilespmem:s4+$0x6A80];
	s4 =	sor.u32 s7, s5;
	s5 =	sand.u32 $0x7F, s6;
	s7 =	sshll.u32 s6, $0x2  }
0x13f: {  	s4 =	sshra.s32 s4, $0x2;
	s7 =	sand.u32 $0xFFFFFE00, s7;
	s5 =	sshll.u32 s5, $0x2;
	(v2sf) =	vpush v1, $0xF  }
0x140: {  	s6 =	sadd.s32 $0x10, s6;
	s4 =	sadd.s32 s26, s4;
	s5 =	sor.u32 s5, s7  }
0x141: {  	s7 =	sand.u32 $0x7F, s6;
	s6 =	sshll.u32 s6, $0x2;
	s5 =	sshra.s32 s5, $0x2  }
0x142: {  	s6 =	sand.u32 $0xFFFFFE00, s6;
	s7 =	sshll.u32 s7, $0x2;
	s5 =	sadd.s32 s26, s5  }
0x143: {  	s6 =	sor.u32 s7, s6;
	[tilespmem:s24+$0x280] =	vst.add.f32.msk $0xffff, v2;
	s7 =	spop (v2sf)  }
0x144: {  	s6 =	sshra.s32 s6, $0x2;
	v1 =	vld [tilespmem:s9+$0x6A80];
	s10 =	sand.u32 $0x7F, s7;
	s18 =	sshll.u32 s7, $0x2  }
0x145: {  	s9 =	sadd.s32 s26, s6;
	s6 =	sand.u32 $0xFFFFFE00, s18;
	s10 =	sshll.u32 s10, $0x2  }
0x146: {  	s7 =	sadd.s32 $0x10, s7;
	s6 =	sor.u32 s10, s6;
	s10 =	spop (v2sf)  }
0x147: {  	s18 =	sand.u32 $0x7F, s7;
	s7 =	sshll.u32 s7, $0x2;
	s6 =	sshra.s32 s6, $0x2  }
0x148: {  	s7 =	sand.u32 $0xFFFFFE00, s7;
	s18 =	sshll.u32 s18, $0x2;
	s6 =	sadd.s32 s26, s6  }
0x149: {  	s7 =	sor.u32 s18, s7;
	s18 =	sand.u32 $0x7F, s10;
	s14 =	sshll.u32 s10, $0x2;
	[tilespmem:s24+$0x290] =	vst.add.f32.msk $0xffff, v1  }
0x14a: {  	s7 =	sshra.s32 s7, $0x2;
	s14 =	sand.u32 $0xFFFFFE00, s14;
	s18 =	sshll.u32 s18, $0x2;
	v1 =	vld [tilespmem:s11+$0x6B00]  }
0x14b: {  	s10 =	sadd.s32 $0x10, s10;
	s11 =	sadd.s32 s26, s7;
	s7 =	sor.u32 s18, s14  }
0x14c: {  	s14 =	sand.u32 $0x7F, s10;
	s10 =	sshll.u32 s10, $0x2;
	s7 =	sshra.s32 s7, $0x2  }
0x14d: {  	s10 =	sand.u32 $0xFFFFFE00, s10;
	s14 =	sshll.u32 s14, $0x2;
	s7 =	sadd.s32 s26, s7  }
0x14e: {  	s10 =	sor.u32 s14, s10;
	s14 =	spop (v2sf)  }
0x14f: {  	s10 =	sshra.s32 s10, $0x2;
	[tilespmem:s24+$0x300] =	vst.add.f32.msk $0xffff, v1;
	s18 =	sand.u32 $0x7F, s14;
	s12 =	sshll.u32 s14, $0x2  }
0x150: {  	v1 =	vld [tilespmem:s31+$0x6B00];
	s31 =	sadd.s32 s26, s10;
	s10 =	sand.u32 $0xFFFFFE00, s12;
	s12 =	sshll.u32 s18, $0x2  }
0x151: {  	s10 =	sor.u32 s12, s10;
	s12 =	sadd.s32 $0x10, s14  }
0x152: {  	s10 =	sshra.s32 s10, $0x2;
	s14 =	sand.u32 $0x7F, s12;
	s12 =	sshll.u32 s12, $0x2  }
0x153: {  	s10 =	sadd.s32 s26, s10;
	s12 =	sand.u32 $0xFFFFFE00, s12;
	s14 =	sshll.u32 s14, $0x2  }
0x154: {  	s12 =	sor.u32 s14, s12  }
0x155: {  	[tilespmem:s24+$0x310] =	vst.add.f32.msk $0xffff, v1;
	s12 =	sshra.s32 s12, $0x2  }
0x156: {  	v1 =	vld [tilespmem:s28+$0x6B80];
	s26 =	sadd.s32 s26, s12;
	_ =	sdelay $0x4  }
0x157: {  	[tilespmem:s24+$0x380] =	vst.add.f32.msk $0xffff, v1  }
0x158: {  	v1 =	vld [tilespmem:s29+$0x6B80];
	_ =	sdelay $0x4  }
0x159: {  	[tilespmem:s24+$0x390] =	vst.add.f32.msk $0xffff, v1  }
0x15a: {  	v1 =	vld [tilespmem:s30+$0x6C00];
	_ =	sdelay $0x4  }
0x15b: {  	[tilespmem:s24+$0x400] =	vst.add.f32.msk $0xffff, v1  }
0x15c: {  	v1 =	vld [tilespmem:s0+$0x6C00];
	_ =	sdelay $0x4  }
0x15d: {  	[tilespmem:s24+$0x410] =	vst.add.f32.msk $0xffff, v1  }
0x15e: {  	v1 =	vld [tilespmem:s1+$0x6C80];
	_ =	sdelay $0x4  }
0x15f: {  	[tilespmem:s24+$0x480] =	vst.add.f32.msk $0xffff, v1  }
0x160: {  	v1 =	vld [tilespmem:s13+$0x6C80];
	_ =	sdelay $0x4  }
0x161: {  	[tilespmem:s24+$0x490] =	vst.add.f32.msk $0xffff, v1  }
0x162: {  	v1 =	vld [tilespmem:s17+$0x6D00];
	_ =	sdelay $0x4  }
0x163: {  	[tilespmem:s24+$0x500] =	vst.add.f32.msk $0xffff, v1  }
0x164: {  	v1 =	vld [tilespmem:s8+$0x6D00];
	_ =	sdelay $0x4  }
0x165: {  	[tilespmem:s24+$0x510] =	vst.add.f32.msk $0xffff, v1  }
0x166: {  	v1 =	vld [tilespmem:s2+$0x6D80];
	_ =	sdelay $0x4  }
0x167: {  	[tilespmem:s24+$0x580] =	vst.add.f32.msk $0xffff, v1  }
0x168: {  	v1 =	vld [tilespmem:s4+$0x6D80];
	_ =	sdelay $0x4  }
0x169: {  	[tilespmem:s24+$0x590] =	vst.add.f32.msk $0xffff, v1  }
0x16a: {  	v1 =	vld [tilespmem:s5+$0x6E00];
	_ =	sdelay $0x4  }
0x16b: {  	[tilespmem:s24+$0x600] =	vst.add.f32.msk $0xffff, v1  }
0x16c: {  	v1 =	vld [tilespmem:s9+$0x6E00];
	_ =	sdelay $0x4  }
0x16d: {  	[tilespmem:s24+$0x610] =	vst.add.f32.msk $0xffff, v1  }
0x16e: {  	v1 =	vld [tilespmem:s6+$0x6E80];
	_ =	sdelay $0x4  }
0x16f: {  	[tilespmem:s24+$0x680] =	vst.add.f32.msk $0xffff, v1  }
0x170: {  	v1 =	vld [tilespmem:s11+$0x6E80];
	_ =	sdelay $0x4  }
0x171: {  	[tilespmem:s24+$0x690] =	vst.add.f32.msk $0xffff, v1  }
0x172: {  	v1 =	vld [tilespmem:s7+$0x6F00];
	_ =	sdelay $0x4  }
0x173: {  	[tilespmem:s24+$0x700] =	vst.add.f32.msk $0xffff, v1  }
0x174: {  	v1 =	vld [tilespmem:s31+$0x6F00];
	_ =	sdelay $0x4  }
0x175: {  	[tilespmem:s24+$0x710] =	vst.add.f32.msk $0xffff, v1  }
0x176: {  	v1 =	vld [tilespmem:s10+$0x6F80];
	_ =	sdelay $0x1  }
.Ltmp3:
0x177: {  	(pc) =	sbr.rel @p1 .LBB2_5-.Ltmp3, $3  }
0x178: {  	_ =	sdelay $0x1  }
0x179: {  	[tilespmem:s24+$0x780] =	vst.add.f32.msk $0xffff, v1  }
0x17a: {  	v1 =	vld [tilespmem:s26+$0x6F80]  }
0x17b: {  	s23 =	sshll.u32 s20, $0x1;
	p1 =	seq.s32 s20, $0x33  }
0x17c: {  	s0 =	sadd.s32 @!p1 $0x2, s23  }
0x17d: {  	s1 =	sshrl.u32 @!p1 s0, $0x2  }
0x17e: {  	s1 =	smul.u32 @!p1 $0x64000, s1  }
0x17f: {  	s2 =	simm.s32 @!p1 $0x80;
	s0 =	sshll.u32 @!p1 s0, $0x7  }
0x180: {  	s4 =	simm.s32 @!p1 $0x6800;
	s0 =	sand.u32 @!p1 $0x3FFFFF00, s0;
	[tilespmem:s24+$0x790] =	vst.add.f32.msk $0xffff, v1;
	s1 =	sadd.s32 @!p1 s3, s1  }
0x181: {  	[tilespmem:s4], [sflag:$0x1] =	stream.indirect.gather @!p1 [hbm4b:s1+s2], $0x80, s0, s2, $0xb8;
	[tilespmem:$0x1E800] =	vst v63  }
0x182: {  	_ =	swait.ge [sflag:s16], $0x4000  }
0x183: {  	[sflag:s16] =	ssyncset.done $0x0  }
0x184: {  	[sflag:s16] =	ssyncadd.s32 $0xFFFFC000  }
0x185: {  	v1 =	vld [tilespmem:s22+$0x0];
	_ =	sdelay $0x4  }
0x186: {  	(v2sf) =	vpush v1, $0x0;
	_ =	sdelay $0xb  }
0x187: {  	(v2sf) =	vpush v1, $0x1;
	_ =	sdelay $0x2  }
0x188: {  	s24 =	spop (v2sf)  }
0x189: {  	s25 =	sand.u32 $0x7F, s24;
	s26 =	sshll.u32 s24, $0x2  }
0x18a: {  	s2 =	sand.u32 $0xFFFFFE00, s26;
	s1 =	sshll.u32 s25, $0x2  }
0x18b: {  	s1 =	sor.u32 s1, s2  }
0x18c: {  	s1 =	sshra.s32 s1, $0x2  }
0x18d: {  	s1 =	sadd.s32 $0x0, s1  }
0x18e: {  	s0 =	sadd.s32 $0x10, s24;
	v2 =	vld [tilespmem:s1+$0xA800]  }
0x18f: {  	s28 =	sand.u32 $0x7F, s0;
	s0 =	sshll.u32 s0, $0x2  }
0x190: {  	s0 =	sand.u32 $0xFFFFFE00, s0;
	s1 =	sshll.u32 s28, $0x2  }
0x191: {  	(v2sf) =	vpush v1, $0x2;
	s0 =	sor.u32 s1, s0  }
0x192: {  	s24 =	sadd.s32 $0x0, s21;
	s0 =	sshra.s32 s0, $0x2  }
0x193: {  	s0 =	sadd.s32 $0x0, s0;
	[tilespmem:s24+$0x4000] =	vst.add.f32.msk $0xffff, v2  }
0x194: {  	s29 =	spop (v2sf);
	v2 =	vld [tilespmem:s0+$0xA800]  }
0x195: {  	s30 =	sand.u32 $0x7F, s29;
	s31 =	sshll.u32 s29, $0x2  }
0x196: {  	s2 =	sand.u32 $0xFFFFFE00, s31;
	s0 =	sshll.u32 s30, $0x2  }
0x197: {  	s0 =	sor.u32 s0, s2  }
0x198: {  	s0 =	sshra.s32 s0, $0x2  }
0x199: {  	s0 =	sadd.s32 $0x0, s0;
	[tilespmem:s24+$0x4010] =	vst.add.f32.msk $0xffff, v2  }
0x19a: {  	s1 =	sadd.s32 $0x10, s29;
	v2 =	vld [tilespmem:s0+$0xA880]  }
0x19b: {  	s4 =	sand.u32 $0x7F, s1;
	s1 =	sshll.u32 s1, $0x2  }
0x19c: {  	s1 =	sand.u32 $0xFFFFFE00, s1;
	s0 =	sshll.u32 s4, $0x2  }
0x19d: {  	(v2sf) =	vpush v1, $0x3;
	s0 =	sor.u32 s0, s1  }
0x19e: {  	s0 =	sshra.s32 s0, $0x2  }
0x19f: {  	s0 =	sadd.s32 $0x0, s0;
	[tilespmem:s24+$0x4080] =	vst.add.f32.msk $0xffff, v2  }
0x1a0: {  	s5 =	spop (v2sf);
	v2 =	vld [tilespmem:s0+$0xA880]  }
0x1a1: {  	s6 =	sand.u32 $0x7F, s5;
	s7 =	sshll.u32 s5, $0x2  }
0x1a2: {  	s2 =	sand.u32 $0xFFFFFE00, s7;
	s0 =	sshll.u32 s6, $0x2  }
0x1a3: {  	s0 =	sor.u32 s0, s2  }
0x1a4: {  	s0 =	sshra.s32 s0, $0x2  }
0x1a5: {  	s0 =	sadd.s32 $0x0, s0;
	[tilespmem:s24+$0x4090] =	vst.add.f32.msk $0xffff, v2  }
0x1a6: {  	s1 =	sadd.s32 $0x10, s5;
	v2 =	vld [tilespmem:s0+$0xA900]  }
0x1a7: {  	s8 =	sand.u32 $0x7F, s1;
	s1 =	sshll.u32 s1, $0x2  }
0x1a8: {  	s1 =	sand.u32 $0xFFFFFE00, s1;
	s0 =	sshll.u32 s8, $0x2  }
0x1a9: {  	(v2sf) =	vpush v1, $0x4;
	s0 =	sor.u32 s0, s1  }
0x1aa: {  	s0 =	sshra.s32 s0, $0x2  }
0x1ab: {  	s0 =	sadd.s32 $0x0, s0;
	[tilespmem:s24+$0x4100] =	vst.add.f32.msk $0xffff, v2  }
0x1ac: {  	s9 =	spop (v2sf);
	v2 =	vld [tilespmem:s0+$0xA900]  }
0x1ad: {  	s10 =	sand.u32 $0x7F, s9;
	s11 =	sshll.u32 s9, $0x2  }
0x1ae: {  	s2 =	sand.u32 $0xFFFFFE00, s11;
	s0 =	sshll.u32 s10, $0x2  }
0x1af: {  	s0 =	sor.u32 s0, s2  }
0x1b0: {  	s0 =	sshra.s32 s0, $0x2  }
0x1b1: {  	s0 =	sadd.s32 $0x0, s0;
	[tilespmem:s24+$0x4110] =	vst.add.f32.msk $0xffff, v2  }
0x1b2: {  	s1 =	sadd.s32 $0x10, s9;
	v2 =	vld [tilespmem:s0+$0xA980]  }
0x1b3: {  	s12 =	sand.u32 $0x7F, s1;
	s1 =	sshll.u32 s1, $0x2  }
0x1b4: {  	s1 =	sand.u32 $0xFFFFFE00, s1;
	s0 =	sshll.u32 s12, $0x2  }
0x1b5: {  	(v2sf) =	vpush v1, $0x5;
	s0 =	sor.u32 s0, s1  }
0x1b6: {  	s0 =	sshra.s32 s0, $0x2  }
0x1b7: {  	s0 =	sadd.s32 $0x0, s0;
	[tilespmem:s24+$0x4180] =	vst.add.f32.msk $0xffff, v2  }
0x1b8: {  	s13 =	spop (v2sf);
	v2 =	vld [tilespmem:s0+$0xA980]  }
0x1b9: {  	s14 =	sand.u32 $0x7F, s13;
	s17 =	sshll.u32 s13, $0x2  }
0x1ba: {  	s2 =	sand.u32 $0xFFFFFE00, s17;
	s0 =	sshll.u32 s14, $0x2  }
0x1bb: {  	s0 =	sor.u32 s0, s2  }
0x1bc: {  	s0 =	sshra.s32 s0, $0x2  }
0x1bd: {  	s0 =	sadd.s32 $0x0, s0;
	[tilespmem:s24+$0x4190] =	vst.add.f32.msk $0xffff, v2  }
0x1be: {  	s1 =	sadd.s32 $0x10, s13;
	v2 =	vld [tilespmem:s0+$0xAA00]  }
0x1bf: {  	s18 =	sand.u32 $0x7F, s1;
	s1 =	sshll.u32 s1, $0x2  }
0x1c0: {  	s1 =	sand.u32 $0xFFFFFE00, s1;
	s0 =	sshll.u32 s18, $0x2  }
0x1c1: {  	(v2sf) =	vpush v1, $0x6;
	s0 =	sor.u32 s0, s1  }
0x1c2: {  	s0 =	sshra.s32 s0, $0x2  }
0x1c3: {  	s0 =	sadd.s32 $0x0, s0;
	[tilespmem:s24+$0x4200] =	vst.add.f32.msk $0xffff, v2  }
0x1c4: {  	s25 =	spop (v2sf);
	v2 =	vld [tilespmem:s0+$0xAA00]  }
0x1c5: {  	s26 =	sand.u32 $0x7F, s25;
	s28 =	sshll.u32 s25, $0x2  }
0x1c6: {  	s2 =	sand.u32 $0xFFFFFE00, s28;
	s0 =	sshll.u32 s26, $0x2  }
0x1c7: {  	s0 =	sor.u32 s0, s2  }
0x1c8: {  	s0 =	sshra.s32 s0, $0x2  }
0x1c9: {  	s0 =	sadd.s32 $0x0, s0;
	[tilespmem:s24+$0x4210] =	vst.add.f32.msk $0xffff, v2  }
0x1ca: {  	s1 =	sadd.s32 $0x10, s25;
	v2 =	vld [tilespmem:s0+$0xAA80]  }
0x1cb: {  	s29 =	sand.u32 $0x7F, s1;
	s1 =	sshll.u32 s1, $0x2  }
0x1cc: {  	s1 =	sand.u32 $0xFFFFFE00, s1;
	s0 =	sshll.u32 s29, $0x2  }
0x1cd: {  	(v2sf) =	vpush v1, $0x7;
	s0 =	sor.u32 s0, s1  }
0x1ce: {  	s0 =	sshra.s32 s0, $0x2  }
0x1cf: {  	s0 =	sadd.s32 $0x0, s0;
	[tilespmem:s24+$0x4280] =	vst.add.f32.msk $0xffff, v2  }
0x1d0: {  	s30 =	spop (v2sf);
	v2 =	vld [tilespmem:s0+$0xAA80]  }
0x1d1: {  	s31 =	sand.u32 $0x7F, s30;
	s4 =	sshll.u32 s30, $0x2  }
0x1d2: {  	s2 =	sand.u32 $0xFFFFFE00, s4;
	s0 =	sshll.u32 s31, $0x2  }
0x1d3: {  	s0 =	sor.u32 s0, s2  }
0x1d4: {  	s0 =	sshra.s32 s0, $0x2  }
0x1d5: {  	s0 =	sadd.s32 $0x0, s0;
	[tilespmem:s24+$0x4290] =	vst.add.f32.msk $0xffff, v2  }
0x1d6: {  	s1 =	sadd.s32 $0x10, s30;
	v2 =	vld [tilespmem:s0+$0xAB00]  }
0x1d7: {  	s5 =	sand.u32 $0x7F, s1;
	s1 =	sshll.u32 s1, $0x2  }
0x1d8: {  	s1 =	sand.u32 $0xFFFFFE00, s1;
	s0 =	sshll.u32 s5, $0x2  }
0x1d9: {  	(v2sf) =	vpush v1, $0x8;
	s0 =	sor.u32 s0, s1  }
0x1da: {  	s0 =	sshra.s32 s0, $0x2  }
0x1db: {  	s0 =	sadd.s32 $0x0, s0;
	[tilespmem:s24+$0x4300] =	vst.add.f32.msk $0xffff, v2  }
0x1dc: {  	s6 =	spop (v2sf);
	v2 =	vld [tilespmem:s0+$0xAB00]  }
0x1dd: {  	s7 =	sand.u32 $0x7F, s6;
	s8 =	sshll.u32 s6, $0x2  }
0x1de: {  	s2 =	sand.u32 $0xFFFFFE00, s8;
	s0 =	sshll.u32 s7, $0x2  }
0x1df: {  	s0 =	sor.u32 s0, s2  }
0x1e0: {  	s0 =	sshra.s32 s0, $0x2  }
0x1e1: {  	s0 =	sadd.s32 $0x0, s0;
	[tilespmem:s24+$0x4310] =	vst.add.f32.msk $0xffff, v2  }
0x1e2: {  	s1 =	sadd.s32 $0x10, s6;
	v2 =	vld [tilespmem:s0+$0xAB80]  }
0x1e3: {  	s9 =	sand.u32 $0x7F, s1;
	s1 =	sshll.u32 s1, $0x2  }
0x1e4: {  	s1 =	sand.u32 $0xFFFFFE00, s1;
	s0 =	sshll.u32 s9, $0x2  }
0x1e5: {  	(v2sf) =	vpush v1, $0x9;
	s0 =	sor.u32 s0, s1  }
0x1e6: {  	s0 =	sshra.s32 s0, $0x2  }
0x1e7: {  	s0 =	sadd.s32 $0x0, s0;
	[tilespmem:s24+$0x4380] =	vst.add.f32.msk $0xffff, v2  }
0x1e8: {  	s10 =	spop (v2sf);
	v2 =	vld [tilespmem:s0+$0xAB80]  }
0x1e9: {  	s11 =	sand.u32 $0x7F, s10;
	s12 =	sshll.u32 s10, $0x2  }
0x1ea: {  	s2 =	sand.u32 $0xFFFFFE00, s12;
	s0 =	sshll.u32 s11, $0x2  }
0x1eb: {  	s0 =	sor.u32 s0, s2  }
0x1ec: {  	s0 =	sshra.s32 s0, $0x2  }
0x1ed: {  	s0 =	sadd.s32 $0x0, s0;
	[tilespmem:s24+$0x4390] =	vst.add.f32.msk $0xffff, v2  }
0x1ee: {  	s1 =	sadd.s32 $0x10, s10;
	v2 =	vld [tilespmem:s0+$0xAC00]  }
0x1ef: {  	s13 =	sand.u32 $0x7F, s1;
	s1 =	sshll.u32 s1, $0x2  }
0x1f0: {  	s1 =	sand.u32 $0xFFFFFE00, s1;
	s0 =	sshll.u32 s13, $0x2  }
0x1f1: {  	(v2sf) =	vpush v1, $0xA;
	s0 =	sor.u32 s0, s1  }
0x1f2: {  	s0 =	sshra.s32 s0, $0x2  }
0x1f3: {  	s0 =	sadd.s32 $0x0, s0;
	[tilespmem:s24+$0x4400] =	vst.add.f32.msk $0xffff, v2  }
0x1f4: {  	s14 =	spop (v2sf);
	v2 =	vld [tilespmem:s0+$0xAC00]  }
0x1f5: {  	s17 =	sand.u32 $0x7F, s14;
	s18 =	sshll.u32 s14, $0x2  }
0x1f6: {  	s2 =	sand.u32 $0xFFFFFE00, s18;
	s0 =	sshll.u32 s17, $0x2  }
0x1f7: {  	s0 =	sor.u32 s0, s2  }
0x1f8: {  	s0 =	sshra.s32 s0, $0x2  }
0x1f9: {  	s0 =	sadd.s32 $0x0, s0;
	[tilespmem:s24+$0x4410] =	vst.add.f32.msk $0xffff, v2  }
0x1fa: {  	s1 =	sadd.s32 $0x10, s14;
	v2 =	vld [tilespmem:s0+$0xAC80]  }
0x1fb: {  	s25 =	sand.u32 $0x7F, s1;
	s1 =	sshll.u32 s1, $0x2  }
0x1fc: {  	s1 =	sand.u32 $0xFFFFFE00, s1;
	s0 =	sshll.u32 s25, $0x2  }
0x1fd: {  	(v2sf) =	vpush v1, $0xB;
	s0 =	sor.u32 s0, s1  }
0x1fe: {  	s0 =	sshra.s32 s0, $0x2  }
0x1ff: {  	s0 =	sadd.s32 $0x0, s0;
	[tilespmem:s24+$0x4480] =	vst.add.f32.msk $0xffff, v2  }
0x200: {  	s26 =	spop (v2sf);
	v2 =	vld [tilespmem:s0+$0xAC80]  }
0x201: {  	s28 =	sand.u32 $0x7F, s26;
	s29 =	sshll.u32 s26, $0x2  }
0x202: {  	s2 =	sand.u32 $0xFFFFFE00, s29;
	s0 =	sshll.u32 s28, $0x2  }
0x203: {  	s0 =	sor.u32 s0, s2  }
0x204: {  	s0 =	sshra.s32 s0, $0x2  }
0x205: {  	s0 =	sadd.s32 $0x0, s0;
	[tilespmem:s24+$0x4490] =	vst.add.f32.msk $0xffff, v2  }
0x206: {  	s1 =	sadd.s32 $0x10, s26;
	v2 =	vld [tilespmem:s0+$0xAD00]  }
0x207: {  	s30 =	sand.u32 $0x7F, s1;
	s1 =	sshll.u32 s1, $0x2  }
0x208: {  	s1 =	sand.u32 $0xFFFFFE00, s1;
	s0 =	sshll.u32 s30, $0x2  }
0x209: {  	(v2sf) =	vpush v1, $0xC;
	s0 =	sor.u32 s0, s1  }
0x20a: {  	s0 =	sshra.s32 s0, $0x2  }
0x20b: {  	s0 =	sadd.s32 $0x0, s0;
	[tilespmem:s24+$0x4500] =	vst.add.f32.msk $0xffff, v2  }
0x20c: {  	s31 =	spop (v2sf);
	v2 =	vld [tilespmem:s0+$0xAD00]  }
0x20d: {  	s4 =	sand.u32 $0x7F, s31;
	s5 =	sshll.u32 s31, $0x2  }
0x20e: {  	s2 =	sand.u32 $0xFFFFFE00, s5;
	s0 =	sshll.u32 s4, $0x2  }
0x20f: {  	s0 =	sor.u32 s0, s2  }
0x210: {  	s0 =	sshra.s32 s0, $0x2  }
0x211: {  	s0 =	sadd.s32 $0x0, s0;
	[tilespmem:s24+$0x4510] =	vst.add.f32.msk $0xffff, v2  }
0x212: {  	s1 =	sadd.s32 $0x10, s31;
	v2 =	vld [tilespmem:s0+$0xAD80]  }
0x213: {  	s6 =	sand.u32 $0x7F, s1;
	s1 =	sshll.u32 s1, $0x2  }
0x214: {  	s1 =	sand.u32 $0xFFFFFE00, s1;
	s0 =	sshll.u32 s6, $0x2  }
0x215: {  	(v2sf) =	vpush v1, $0xD;
	s0 =	sor.u32 s0, s1  }
0x216: {  	s0 =	sshra.s32 s0, $0x2  }
0x217: {  	s0 =	sadd.s32 $0x0, s0;
	[tilespmem:s24+$0x4580] =	vst.add.f32.msk $0xffff, v2  }
0x218: {  	s7 =	spop (v2sf);
	v2 =	vld [tilespmem:s0+$0xAD80]  }
0x219: {  	s8 =	sand.u32 $0x7F, s7;
	s9 =	sshll.u32 s7, $0x2  }
0x21a: {  	s2 =	sand.u32 $0xFFFFFE00, s9;
	s0 =	sshll.u32 s8, $0x2  }
0x21b: {  	s0 =	sor.u32 s0, s2  }
0x21c: {  	s0 =	sshra.s32 s0, $0x2  }
0x21d: {  	s0 =	sadd.s32 $0x0, s0;
	[tilespmem:s24+$0x4590] =	vst.add.f32.msk $0xffff, v2  }
0x21e: {  	s1 =	sadd.s32 $0x10, s7;
	v2 =	vld [tilespmem:s0+$0xAE00]  }
0x21f: {  	s10 =	sand.u32 $0x7F, s1;
	s1 =	sshll.u32 s1, $0x2  }
0x220: {  	s1 =	sand.u32 $0xFFFFFE00, s1;
	s0 =	sshll.u32 s10, $0x2  }
0x221: {  	(v2sf) =	vpush v1, $0xE;
	s0 =	sor.u32 s0, s1  }
0x222: {  	s0 =	sshra.s32 s0, $0x2  }
0x223: {  	s0 =	sadd.s32 $0x0, s0;
	[tilespmem:s24+$0x4600] =	vst.add.f32.msk $0xffff, v2  }
0x224: {  	s11 =	spop (v2sf);
	v2 =	vld [tilespmem:s0+$0xAE00]  }
0x225: {  	s12 =	sand.u32 $0x7F, s11;
	s13 =	sshll.u32 s11, $0x2  }
0x226: {  	s2 =	sand.u32 $0xFFFFFE00, s13;
	s0 =	sshll.u32 s12, $0x2  }
0x227: {  	s0 =	sor.u32 s0, s2  }
0x228: {  	s0 =	sshra.s32 s0, $0x2  }
0x229: {  	s0 =	sadd.s32 $0x0, s0;
	[tilespmem:s24+$0x4610] =	vst.add.f32.msk $0xffff, v2  }
0x22a: {  	s1 =	sadd.s32 $0x10, s11;
	v2 =	vld [tilespmem:s0+$0xAE80]  }
0x22b: {  	s14 =	sand.u32 $0x7F, s1;
	s1 =	sshll.u32 s1, $0x2  }
0x22c: {  	s1 =	sand.u32 $0xFFFFFE00, s1;
	s0 =	sshll.u32 s14, $0x2  }
0x22d: {  	(v2sf) =	vpush v1, $0xF;
	s0 =	sor.u32 s0, s1  }
0x22e: {  	s0 =	sshra.s32 s0, $0x2  }
0x22f: {  	s0 =	sadd.s32 $0x0, s0;
	[tilespmem:s24+$0x4680] =	vst.add.f32.msk $0xffff, v2  }
0x230: {  	s17 =	spop (v2sf);
	v1 =	vld [tilespmem:s0+$0xAE80]  }
0x231: {  	s18 =	sand.u32 $0x7F, s17;
	s25 =	sshll.u32 s17, $0x2  }
0x232: {  	s2 =	sand.u32 $0xFFFFFE00, s25;
	s0 =	sshll.u32 s18, $0x2  }
0x233: {  	s0 =	sor.u32 s0, s2  }
0x234: {  	s0 =	sshra.s32 s0, $0x2  }
0x235: {  	s0 =	sadd.s32 $0x0, s0;
	[tilespmem:s24+$0x4690] =	vst.add.f32.msk $0xffff, v1  }
0x236: {  	s1 =	sadd.s32 $0x10, s17;
	v1 =	vld [tilespmem:s0+$0xAF00]  }
0x237: {  	s26 =	sand.u32 $0x7F, s1;
	s1 =	sshll.u32 s1, $0x2  }
0x238: {  	s1 =	sand.u32 $0xFFFFFE00, s1;
	s0 =	sshll.u32 s26, $0x2  }
0x239: {  	s0 =	sor.u32 s0, s1  }
0x23a: {  	s0 =	sshra.s32 s0, $0x2  }
0x23b: {  	s0 =	sadd.s32 $0x0, s0;
	[tilespmem:s24+$0x4700] =	vst.add.f32.msk $0xffff, v1  }
0x23c: {  	s28 =	spop (v2sf);
	v1 =	vld [tilespmem:s0+$0xAF00]  }
0x23d: {  	s29 =	sand.u32 $0x7F, s28;
	s30 =	sshll.u32 s28, $0x2  }
0x23e: {  	s2 =	sand.u32 $0xFFFFFE00, s30;
	s0 =	sshll.u32 s29, $0x2  }
0x23f: {  	s0 =	sor.u32 s0, s2  }
0x240: {  	s0 =	sshra.s32 s0, $0x2  }
0x241: {  	s0 =	sadd.s32 $0x0, s0;
	[tilespmem:s24+$0x4710] =	vst.add.f32.msk $0xffff, v1  }
0x242: {  	s1 =	sadd.s32 $0x10, s28;
	v1 =	vld [tilespmem:s0+$0xAF80]  }
0x243: {  	s31 =	sand.u32 $0x7F, s1;
	s1 =	sshll.u32 s1, $0x2  }
0x244: {  	s1 =	sand.u32 $0xFFFFFE00, s1;
	s0 =	sshll.u32 s31, $0x2  }
0x245: {  	s0 =	sor.u32 s0, s1  }
0x246: {  	s0 =	sshra.s32 s0, $0x2  }
0x247: {  	s0 =	sadd.s32 $0x0, s0;
	[tilespmem:s24+$0x4780] =	vst.add.f32.msk $0xffff, v1  }
0x248: {  	s25 =	simm.s32 $0x2000;
	v1 =	vld [tilespmem:s0+$0xAF80]  }
.LBB2_7:
0x249: {  	_ =	sdelay $0x2  }
0x24a: {  	p2 =	sne.s32 s25, $0xE000  }
0x24b: {  	s22 =	sadd.s32 $0x10, s22;
	s0 =	smov.u32 s25;
	s25 =	sadd.s32 $0x2000, s25;
	[tilespmem:s24+$0x4790] =	vst.add.f32.msk $0xffff, v1  }
0x24c: {  	v1 =	vld [tilespmem:s22+$0x0];
	_ =	sdelay $0x4  }
0x24d: {  	(v2sf) =	vpush v1, $0x0;
	_ =	sdelay $0x3  }
0x24e: {  	(v2sf) =	vpush v1, $0x1;
	_ =	sdelay $0x2  }
0x24f: {  	(v2sf) =	vpush v1, $0x2;
	_ =	sdelay $0x7  }
0x250: {  	s26 =	sshra.s32 s0, $0x2;
	s0 =	spop (v2sf);
	(v2sf) =	vpush v1, $0x3  }
0x251: {  	s1 =	sand.u32 $0x7F, s0;
	s2 =	sshll.u32 s0, $0x2;
	s0 =	sadd.s32 $0x10, s0  }
0x252: {  	s2 =	sand.u32 $0xFFFFFE00, s2;
	s1 =	sshll.u32 s1, $0x2;
	s4 =	sand.u32 $0x7F, s0  }
0x253: {  	s0 =	sshll.u32 s0, $0x2;
	s1 =	sor.u32 s1, s2;
	s2 =	sshll.u32 s4, $0x2  }
0x254: {  	s0 =	sand.u32 $0xFFFFFE00, s0;
	s1 =	sshra.s32 s1, $0x2;
	s4 =	spop (v2sf)  }
0x255: {  	s0 =	sor.u32 s2, s0;
	s1 =	sadd.s32 s26, s1;
	s2 =	sadd.s32 $0x10, s4;
	(v2sf) =	vpush v1, $0x4  }
0x256: {  	s0 =	sshra.s32 s0, $0x2;
	v2 =	vld [tilespmem:s1+$0xA800];
	s1 =	sand.u32 $0x7F, s4;
	s4 =	sshll.u32 s4, $0x2  }
0x257: {  	s24 =	sadd.s32 s26, s21;
	s4 =	sand.u32 $0xFFFFFE00, s4;
	s5 =	spop (v2sf)  }
0x258: {  	s6 =	sand.u32 $0x7F, s2;
	s2 =	sshll.u32 s2, $0x2;
	s1 =	sshll.u32 s1, $0x2  }
0x259: {  	s2 =	sand.u32 $0xFFFFFE00, s2;
	s1 =	sor.u32 s1, s4;
	s4 =	sshll.u32 s6, $0x2  }
0x25a: {  	s6 =	sshll.u32 s5, $0x2;
	s2 =	sor.u32 s4, s2;
	s4 =	sand.u32 $0x7F, s5  }
0x25b: {  	s0 =	sadd.s32 s26, s0;
	s2 =	sshra.s32 s2, $0x2;
	s4 =	sshll.u32 s4, $0x2;
	[tilespmem:s24+$0x4000] =	vst.add.f32.msk $0xffff, v2;
	(v2sf) =	vpush v1, $0x5  }
0x25c: {  	s5 =	sadd.s32 $0x10, s5;
	v2 =	vld [tilespmem:s0+$0xA800];
	s0 =	sshra.s32 s1, $0x2;
	s1 =	sand.u32 $0xFFFFFE00, s6  }
0x25d: {  	s6 =	sand.u32 $0x7F, s5;
	s5 =	sshll.u32 s5, $0x2;
	s1 =	sor.u32 s4, s1  }
0x25e: {  	s4 =	sshra.s32 s1, $0x2;
	s1 =	sand.u32 $0xFFFFFE00, s5;
	s5 =	sshll.u32 s6, $0x2  }
0x25f: {  	s0 =	sadd.s32 s26, s0;
	s1 =	sor.u32 s5, s1;
	s5 =	spop (v2sf)  }
0x260: {  	s6 =	sshra.s32 s1, $0x2;
	s1 =	sand.u32 $0x7F, s5;
	s7 =	sshll.u32 s5, $0x2  }
0x261: {  	s5 =	sadd.s32 $0x10, s5;
	[tilespmem:s24+$0x4010] =	vst.add.f32.msk $0xffff, v2;
	s7 =	sand.u32 $0xFFFFFE00, s7;
	s1 =	sshll.u32 s1, $0x2;
	(v2sf) =	vpush v1, $0x6  }
0x262: {  	v2 =	vld [tilespmem:s0+$0xA880];
	s0 =	sor.u32 s1, s7;
	s1 =	sand.u32 $0x7F, s5;
	s5 =	sshll.u32 s5, $0x2  }
0x263: {  	s0 =	sshra.s32 s0, $0x2;
	s7 =	sand.u32 $0xFFFFFE00, s5;
	s1 =	sshll.u32 s1, $0x2  }
0x264: {  	s5 =	sadd.s32 s26, s0;
	s0 =	sor.u32 s1, s7;
	s1 =	spop (v2sf)  }
0x265: {  	s0 =	sshra.s32 s0, $0x2;
	s7 =	sand.u32 $0x7F, s1;
	s8 =	sshll.u32 s1, $0x2  }
0x266: {  	s0 =	sadd.s32 s26, s0;
	s8 =	sand.u32 $0xFFFFFE00, s8;
	s7 =	sshll.u32 s7, $0x2  }
0x267: {  	s2 =	sadd.s32 s26, s2;
	s1 =	sadd.s32 $0x10, s1;
	[tilespmem:s24+$0x4080] =	vst.add.f32.msk $0xffff, v2;
	s7 =	sor.u32 s7, s8;
	(v2sf) =	vpush v1, $0x7  }
0x268: {  	s8 =	sshll.u32 s1, $0x2;
	v2 =	vld [tilespmem:s2+$0xA880];
	s2 =	sshra.s32 s7, $0x2;
	s7 =	sand.u32 $0x7F, s1  }
0x269: {  	s1 =	sadd.s32 s26, s2;
	s2 =	sand.u32 $0xFFFFFE00, s8;
	s7 =	sshll.u32 s7, $0x2  }
0x26a: {  	s2 =	sor.u32 s7, s2;
	s7 =	spop (v2sf);
	(v2sf) =	vpush v1, $0x8  }
0x26b: {  	s2 =	sshra.s32 s2, $0x2;
	s8 =	sand.u32 $0x7F, s7;
	s9 =	sshll.u32 s7, $0x2  }
0x26c: {  	s2 =	sadd.s32 s26, s2;
	s9 =	sand.u32 $0xFFFFFE00, s9;
	s8 =	sshll.u32 s8, $0x2  }
0x26d: {  	s4 =	sadd.s32 s26, s4;
	s7 =	sadd.s32 $0x10, s7;
	[tilespmem:s24+$0x4090] =	vst.add.f32.msk $0xffff, v2;
	s8 =	sor.u32 s8, s9  }
0x26e: {  	v2 =	vld [tilespmem:s4+$0xA900];
	s4 =	sshra.s32 s8, $0x2;
	s8 =	sand.u32 $0x7F, s7;
	s7 =	sshll.u32 s7, $0x2  }
0x26f: {  	s4 =	sadd.s32 s26, s4;
	s7 =	sand.u32 $0xFFFFFE00, s7;
	s8 =	sshll.u32 s8, $0x2  }
0x270: {  	s7 =	sor.u32 s8, s7;
	s8 =	spop (v2sf)  }
0x271: {  	s7 =	sshra.s32 s7, $0x2;
	s10 =	sand.u32 $0x7F, s8;
	s11 =	sshll.u32 s8, $0x2  }
0x272: {  	s9 =	sadd.s32 s26, s7;
	s7 =	sand.u32 $0xFFFFFE00, s11;
	s10 =	sshll.u32 s10, $0x2;
	(v2sf) =	vpush v1, $0x9  }
0x273: {  	s6 =	sadd.s32 s26, s6;
	s8 =	sadd.s32 $0x10, s8;
	[tilespmem:s24+$0x4100] =	vst.add.f32.msk $0xffff, v2;
	s7 =	sor.u32 s10, s7  }
0x274: {  	v2 =	vld [tilespmem:s6+$0xA900];
	s6 =	sshra.s32 s7, $0x2;
	s7 =	sand.u32 $0x7F, s8;
	s8 =	sshll.u32 s8, $0x2  }
0x275: {  	s11 =	sadd.s32 s26, s6;
	s6 =	sand.u32 $0xFFFFFE00, s8;
	s7 =	sshll.u32 s7, $0x2;
	(v2sf) =	vpush v1, $0xA  }
0x276: {  	s6 =	sor.u32 s7, s6;
	s7 =	spop (v2sf)  }
0x277: {  	s6 =	sshra.s32 s6, $0x2;
	s8 =	sand.u32 $0x7F, s7;
	s10 =	sshll.u32 s7, $0x2  }
0x278: {  	s31 =	sadd.s32 s26, s6;
	s6 =	sand.u32 $0xFFFFFE00, s10;
	s8 =	sshll.u32 s8, $0x2  }
0x279: {  	s7 =	sadd.s32 $0x10, s7;
	[tilespmem:s24+$0x4110] =	vst.add.f32.msk $0xffff, v2;
	s6 =	sor.u32 s8, s6;
	s8 =	spop (v2sf)  }
0x27a: {  	v2 =	vld [tilespmem:s5+$0xA980];
	s5 =	sshra.s32 s6, $0x2;
	s6 =	sand.u32 $0x7F, s7;
	s7 =	sshll.u32 s7, $0x2  }
0x27b: {  	s28 =	sadd.s32 s26, s5;
	s5 =	sand.u32 $0xFFFFFE00, s7;
	s6 =	sshll.u32 s6, $0x2  }
0x27c: {  	s7 =	sshll.u32 s8, $0x2;
	s5 =	sor.u32 s6, s5;
	s6 =	sand.u32 $0x7F, s8  }
0x27d: {  	s7 =	sand.u32 $0xFFFFFE00, s7;
	s5 =	sshra.s32 s5, $0x2;
	s6 =	sshll.u32 s6, $0x2;
	(v2sf) =	vpush v1, $0xB  }
0x27e: {  	s29 =	sadd.s32 s26, s5;
	s5 =	sor.u32 s6, s7;
	s6 =	sadd.s32 $0x10, s8  }
0x27f: {  	[tilespmem:s24+$0x4180] =	vst.add.f32.msk $0xffff, v2;
	s5 =	sshra.s32 s5, $0x2;
	s7 =	sand.u32 $0x7F, s6;
	s6 =	sshll.u32 s6, $0x2  }
0x280: {  	v2 =	vld [tilespmem:s0+$0xA980];
	s30 =	sadd.s32 s26, s5;
	s0 =	sand.u32 $0xFFFFFE00, s6;
	s5 =	sshll.u32 s7, $0x2;
	(v2sf) =	vpush v1, $0xC  }
0x281: {  	s0 =	sor.u32 s5, s0;
	s5 =	spop (v2sf)  }
0x282: {  	s0 =	sshra.s32 s0, $0x2;
	s6 =	sand.u32 $0x7F, s5;
	s7 =	sshll.u32 s5, $0x2  }
0x283: {  	s0 =	sadd.s32 s26, s0;
	s7 =	sand.u32 $0xFFFFFE00, s7;
	s6 =	sshll.u32 s6, $0x2  }
0x284: {  	s5 =	sadd.s32 $0x10, s5;
	s6 =	sor.u32 s6, s7;
	s7 =	spop (v2sf)  }
0x285: {  	s8 =	sand.u32 $0x7F, s5;
	s5 =	sshll.u32 s5, $0x2;
	[tilespmem:s24+$0x4190] =	vst.add.f32.msk $0xffff, v2;
	s6 =	sshra.s32 s6, $0x2  }
0x286: {  	s5 =	sand.u32 $0xFFFFFE00, s5;
	v2 =	vld [tilespmem:s1+$0xAA00];
	s1 =	sadd.s32 s26, s6;
	s6 =	sshll.u32 s8, $0x2  }
0x287: {  	s8 =	sshll.u32 s7, $0x2;
	s5 =	sor.u32 s6, s5;
	s6 =	sand.u32 $0x7F, s7  }
0x288: {  	s8 =	sand.u32 $0xFFFFFE00, s8;
	s5 =	sshra.s32 s5, $0x2;
	s6 =	sshll.u32 s6, $0x2;
	(v2sf) =	vpush v1, $0xD  }
0x289: {  	s13 =	sadd.s32 s26, s5;
	s5 =	sor.u32 s6, s8;
	s6 =	sadd.s32 $0x10, s7  }
0x28a: {  	s5 =	sshra.s32 s5, $0x2;
	s7 =	sand.u32 $0x7F, s6;
	s6 =	sshll.u32 s6, $0x2  }
0x28b: {  	[tilespmem:s24+$0x4200] =	vst.add.f32.msk $0xffff, v2;
	s17 =	sadd.s32 s26, s5;
	s5 =	sand.u32 $0xFFFFFE00, s6;
	s6 =	sshll.u32 s7, $0x2;
	(v2sf) =	vpush v1, $0xE  }
0x28c: {  	v2 =	vld [tilespmem:s2+$0xAA00];
	s2 =	sor.u32 s6, s5;
	s5 =	spop (v2sf)  }
0x28d: {  	s2 =	sshra.s32 s2, $0x2;
	s6 =	sand.u32 $0x7F, s5;
	s7 =	sshll.u32 s5, $0x2  }
0x28e: {  	s8 =	sadd.s32 s26, s2;
	s2 =	sand.u32 $0xFFFFFE00, s7;
	s6 =	sshll.u32 s6, $0x2  }
0x28f: {  	s5 =	sadd.s32 $0x10, s5;
	s2 =	sor.u32 s6, s2;
	s6 =	spop (v2sf)  }
0x290: {  	s7 =	sand.u32 $0x7F, s5;
	s5 =	sshll.u32 s5, $0x2;
	s2 =	sshra.s32 s2, $0x2  }
0x291: {  	s5 =	sand.u32 $0xFFFFFE00, s5;
	s7 =	sshll.u32 s7, $0x2;
	[tilespmem:s24+$0x4210] =	vst.add.f32.msk $0xffff, v2;
	s2 =	sadd.s32 s26, s2  }
0x292: {  	v2 =	vld [tilespmem:s4+$0xAA80];
	s4 =	sor.u32 s7, s5;
	s5 =	sand.u32 $0x7F, s6;
	s7 =	sshll.u32 s6, $0x2  }
0x293: {  	s4 =	sshra.s32 s4, $0x2;
	s7 =	sand.u32 $0xFFFFFE00, s7;
	s5 =	sshll.u32 s5, $0x2;
	(v2sf) =	vpush v1, $0xF  }
0x294: {  	s6 =	sadd.s32 $0x10, s6;
	s4 =	sadd.s32 s26, s4;
	s5 =	sor.u32 s5, s7  }
0x295: {  	s7 =	sand.u32 $0x7F, s6;
	s6 =	sshll.u32 s6, $0x2;
	s5 =	sshra.s32 s5, $0x2  }
0x296: {  	s6 =	sand.u32 $0xFFFFFE00, s6;
	s7 =	sshll.u32 s7, $0x2;
	s5 =	sadd.s32 s26, s5  }
0x297: {  	s6 =	sor.u32 s7, s6;
	[tilespmem:s24+$0x4280] =	vst.add.f32.msk $0xffff, v2;
	s7 =	spop (v2sf)  }
0x298: {  	s6 =	sshra.s32 s6, $0x2;
	v1 =	vld [tilespmem:s9+$0xAA80];
	s10 =	sand.u32 $0x7F, s7;
	s12 =	sshll.u32 s7, $0x2  }
0x299: {  	s9 =	sadd.s32 s26, s6;
	s6 =	sand.u32 $0xFFFFFE00, s12;
	s10 =	sshll.u32 s10, $0x2  }
0x29a: {  	s7 =	sadd.s32 $0x10, s7;
	s6 =	sor.u32 s10, s6;
	s10 =	spop (v2sf)  }
0x29b: {  	s12 =	sand.u32 $0x7F, s7;
	s7 =	sshll.u32 s7, $0x2;
	s6 =	sshra.s32 s6, $0x2  }
0x29c: {  	s7 =	sand.u32 $0xFFFFFE00, s7;
	s12 =	sshll.u32 s12, $0x2;
	s6 =	sadd.s32 s26, s6  }
0x29d: {  	s7 =	sor.u32 s12, s7;
	s12 =	sand.u32 $0x7F, s10;
	s14 =	sshll.u32 s10, $0x2;
	[tilespmem:s24+$0x4290] =	vst.add.f32.msk $0xffff, v1  }
0x29e: {  	s7 =	sshra.s32 s7, $0x2;
	s12 =	sshll.u32 s12, $0x2;
	v1 =	vld [tilespmem:s11+$0xAB00];
	s11 =	sand.u32 $0xFFFFFE00, s14  }
0x29f: {  	s10 =	sadd.s32 $0x10, s10;
	s7 =	sadd.s32 s26, s7;
	s11 =	sor.u32 s12, s11  }
0x2a0: {  	s12 =	sand.u32 $0x7F, s10;
	s10 =	sshll.u32 s10, $0x2;
	s11 =	sshra.s32 s11, $0x2  }
0x2a1: {  	s10 =	sand.u32 $0xFFFFFE00, s10;
	s12 =	sshll.u32 s12, $0x2;
	s11 =	sadd.s32 s26, s11  }
0x2a2: {  	s10 =	sor.u32 s12, s10;
	s12 =	spop (v2sf)  }
0x2a3: {  	s10 =	sshra.s32 s10, $0x2;
	[tilespmem:s24+$0x4300] =	vst.add.f32.msk $0xffff, v1;
	s14 =	sand.u32 $0x7F, s12;
	s18 =	sshll.u32 s12, $0x2  }
0x2a4: {  	v1 =	vld [tilespmem:s31+$0xAB00];
	s31 =	sadd.s32 s26, s10;
	s10 =	sand.u32 $0xFFFFFE00, s18;
	s14 =	sshll.u32 s14, $0x2  }
0x2a5: {  	s12 =	sadd.s32 $0x10, s12;
	s10 =	sor.u32 s14, s10  }
0x2a6: {  	s14 =	sand.u32 $0x7F, s12;
	s12 =	sshll.u32 s12, $0x2;
	s10 =	sshra.s32 s10, $0x2  }
0x2a7: {  	s12 =	sand.u32 $0xFFFFFE00, s12;
	s14 =	sshll.u32 s14, $0x2;
	s10 =	sadd.s32 s26, s10  }
0x2a8: {  	s12 =	sor.u32 s14, s12  }
0x2a9: {  	s12 =	sshra.s32 s12, $0x2;
	[tilespmem:s24+$0x4310] =	vst.add.f32.msk $0xffff, v1  }
0x2aa: {  	s26 =	sadd.s32 s26, s12;
	v1 =	vld [tilespmem:s28+$0xAB80];
	_ =	sdelay $0x4  }
0x2ab: {  	[tilespmem:s24+$0x4380] =	vst.add.f32.msk $0xffff, v1  }
0x2ac: {  	v1 =	vld [tilespmem:s29+$0xAB80];
	_ =	sdelay $0x4  }
0x2ad: {  	[tilespmem:s24+$0x4390] =	vst.add.f32.msk $0xffff, v1  }
0x2ae: {  	v1 =	vld [tilespmem:s30+$0xAC00];
	_ =	sdelay $0x4  }
0x2af: {  	[tilespmem:s24+$0x4400] =	vst.add.f32.msk $0xffff, v1  }
0x2b0: {  	v1 =	vld [tilespmem:s0+$0xAC00];
	_ =	sdelay $0x4  }
0x2b1: {  	[tilespmem:s24+$0x4410] =	vst.add.f32.msk $0xffff, v1  }
0x2b2: {  	v1 =	vld [tilespmem:s1+$0xAC80];
	_ =	sdelay $0x4  }
0x2b3: {  	[tilespmem:s24+$0x4480] =	vst.add.f32.msk $0xffff, v1  }
0x2b4: {  	v1 =	vld [tilespmem:s13+$0xAC80];
	_ =	sdelay $0x4  }
0x2b5: {  	[tilespmem:s24+$0x4490] =	vst.add.f32.msk $0xffff, v1  }
0x2b6: {  	v1 =	vld [tilespmem:s17+$0xAD00];
	_ =	sdelay $0x4  }
0x2b7: {  	[tilespmem:s24+$0x4500] =	vst.add.f32.msk $0xffff, v1  }
0x2b8: {  	v1 =	vld [tilespmem:s8+$0xAD00];
	_ =	sdelay $0x4  }
0x2b9: {  	[tilespmem:s24+$0x4510] =	vst.add.f32.msk $0xffff, v1  }
0x2ba: {  	v1 =	vld [tilespmem:s2+$0xAD80];
	_ =	sdelay $0x4  }
0x2bb: {  	[tilespmem:s24+$0x4580] =	vst.add.f32.msk $0xffff, v1  }
0x2bc: {  	v1 =	vld [tilespmem:s4+$0xAD80];
	_ =	sdelay $0x4  }
0x2bd: {  	[tilespmem:s24+$0x4590] =	vst.add.f32.msk $0xffff, v1  }
0x2be: {  	v1 =	vld [tilespmem:s5+$0xAE00];
	_ =	sdelay $0x4  }
0x2bf: {  	[tilespmem:s24+$0x4600] =	vst.add.f32.msk $0xffff, v1  }
0x2c0: {  	v1 =	vld [tilespmem:s9+$0xAE00];
	_ =	sdelay $0x4  }
0x2c1: {  	[tilespmem:s24+$0x4610] =	vst.add.f32.msk $0xffff, v1  }
0x2c2: {  	v1 =	vld [tilespmem:s6+$0xAE80];
	_ =	sdelay $0x4  }
0x2c3: {  	[tilespmem:s24+$0x4680] =	vst.add.f32.msk $0xffff, v1  }
0x2c4: {  	v1 =	vld [tilespmem:s7+$0xAE80];
	_ =	sdelay $0x4  }
0x2c5: {  	[tilespmem:s24+$0x4690] =	vst.add.f32.msk $0xffff, v1  }
0x2c6: {  	v1 =	vld [tilespmem:s11+$0xAF00];
	_ =	sdelay $0x4  }
0x2c7: {  	[tilespmem:s24+$0x4700] =	vst.add.f32.msk $0xffff, v1  }
0x2c8: {  	v1 =	vld [tilespmem:s31+$0xAF00];
	_ =	sdelay $0x4  }
0x2c9: {  	[tilespmem:s24+$0x4710] =	vst.add.f32.msk $0xffff, v1  }
0x2ca: {  	v1 =	vld [tilespmem:s10+$0xAF80];
	_ =	sdelay $0x1  }
.Ltmp4:
0x2cb: {  	(pc) =	sbr.rel @p2 .LBB2_7-.Ltmp4, $3  }
0x2cc: {  	_ =	sdelay $0x1  }
0x2cd: {  	[tilespmem:s24+$0x4780] =	vst.add.f32.msk $0xffff, v1  }
0x2ce: {  	v1 =	vld [tilespmem:s26+$0xAF80]  }
.Ltmp5:
0x2cf: {  	_ = 	snop;
	(pc) =	sbr.rel @p1 .LBB2_10-.Ltmp5, $2  }
0x2d0: {  	_ =	sdelay $0x2  }
0x2d1: {  	[tilespmem:s24+$0x4790] =	vst.add.f32.msk $0xffff, v1  }
0x2d2: {  	s0 =	sadd.s32 $0x3, s23  }
.Ltmp6:
0x2d3: {  	s1 =	sshrl.u32 s0, $0x2;
	(pc) =	sbr.rel .LBB2_4-.Ltmp6, $4  }
0x2d4: {  	s2 =	simm.s32 $0x80;
	s4 =	simm.s32 $0xA800;
	s1 =	smul.u32 $0x64000, s1  }
0x2d5: {  	s20 =	sadd.s32 $0x1, s20;
	p0 =	por !p0, !p0;
	s0 =	sshll.u32 s0, $0x7  }
0x2d6: {  	s19 =	sadd.s32 $0x400, s19;
	s0 =	sand.u32 $0x3FFFFF80, s0;
	s1 =	sadd.s32 s3, s1  }
0x2d7: {  	[tilespmem:s4], [sflag:$0x2] =	stream.indirect.gather [hbm4b:s1+s2], $0x80, s0, s2, $0xb8;
	[tilespmem:$0x1E800] =	vst v63  }
.LBB2_11:
0x2d8: {  	_ =	sfence.sel $0x180000  }
0x2d9: {  	[bflag:$0x0] =	sbarrier.arrive $0xFFFF  }
0x2da: {  	_ =	strace $0x90000047  }
0x2db: {  	s0 =	stileid.u32;
	[bflag:$0x2] =	sbarrier.arrive $0xFFFF  }
0x2dc: {  	p0 =	sne.s32 s0, $0x0;
	s0 =	rddreg [dreg:$0x2]  }
0x2dd: {  	s0 =	sadd.s32 @!p0 $0x100000, s0  }
0x2de: {  	[sflag:s0] =	ssyncadd.tile.s32 @!p0 $0x1;
	_ =	shalt  }
.Lfunc_end2:
_tile_overlayer_lowered:
.L_overlay_start_2:
0x2df: {  	(tag) =	ssettag $0x2  }
0x2e0: {  	s0 =	rddreg [dreg:$0x0];
	s2 =	stileid.u32  }
0x2e1: {  	s1 =	rddreg [dreg:$0x1];
	p0 =	sne.s32 s2, $0x0  }
0x2e2: {  	s3 =	rddreg [dreg:$0x2];
	[bflag:$0x3] =	sbarrier.arrive $0xFFFF;
	s2 =	simm.s32 @!p0 $0x1C03  }
0x2e3: {  	[timem:s3], [sflag:s2] =	dma.local @!p0 [hbm:s0], s1  }
0x2e4: {  	s0 =	simm.s32 @!p0 $0x3  }
0x2e5: {  	_ =	swait.ge @!p0 [sflag:s0], s1  }
0x2e6: {  	s1 =	ssub.s32 @!p0 $0x0, s1;
	[sflag:s0] =	ssyncset.done @!p0 $0x0  }
0x2e7: {  	[sflag:s0] =	ssyncadd.s32 @!p0 s1  }
0x2e8: {  	[bflag:$0x3] =	sbarrier.arrive $0xFFFF  }
0x2e9: {  	_ =	shalt  }

</sc_bundles>
